<compile_context>
chip_gen: v7x
topology: tpu7x:2x2x1
jax: 0.10.2.dev20260603
libtpu: 0.0.44.dev20260713+nightly
codegen_flags: <defaults>
</compile_context>

<pallas_src>
import functools

import jax
import jax.numpy as jnp
from jax import lax
from jax.experimental import pallas as pl
from jax.experimental.pallas import tpu as pltpu
from jax.experimental.pallas import tpu_sc as plsc

N = 10000
E = 320000
SD = 128
MO = 8
H = 32
ROW = 8

NUM_CORES = 2
NUM_SUBCORES = 16
NW = NUM_CORES * NUM_SUBCORES
CHUNK = 1280
K = 4
CH = 8
GROUPS = CH // K
EPW = CH * CHUNK
NPAD = 10240
ROWS_PER_SUB = NPAD // NUM_SUBCORES

_BLK = 2000


def _msg_body(x_ref, w1_ref, b1_ref, w2_ref, b2_ref, w3p_ref, b3r_ref,
              root_ref, rootb_ref, m_ref, r_ref):
    x = x_ref[...]
    h = jnp.maximum(jnp.dot(x, w1_ref[...], preferred_element_type=jnp.float32,
                            precision=lax.Precision.HIGHEST) + b1_ref[...], 0.0)
    h = jnp.maximum(jnp.dot(h, w2_ref[...], preferred_element_type=jnp.float32,
                            precision=lax.Precision.HIGHEST) + b2_ref[...], 0.0)
    t = jnp.dot(x, w3p_ref[...], preferred_element_type=jnp.float32,
                precision=lax.Precision.HIGHEST)
    jj = lax.broadcasted_iota(jnp.int32, (H, H * MO), 1)
    kk = lax.broadcasted_iota(jnp.int32, (H, H * MO), 0)
    sel = (jj // MO == kk).astype(jnp.float32)
    jo = lax.broadcasted_iota(jnp.int32, (H * MO, MO), 0)
    oo = lax.broadcasted_iota(jnp.int32, (H * MO, MO), 1)
    col = (jo % MO == oo).astype(jnp.float32)
    hrep = jnp.dot(h, sel, preferred_element_type=jnp.float32,
                   precision=lax.Precision.HIGHEST)
    msg = (jnp.dot(hrep * t, col, preferred_element_type=jnp.float32,
                   precision=lax.Precision.HIGHEST)
           + jnp.dot(x, b3r_ref[...], preferred_element_type=jnp.float32,
                     precision=lax.Precision.HIGHEST))
    m_ref[...] = msg
    r_ref[...] = (jnp.dot(x, root_ref[...], preferred_element_type=jnp.float32,
                          precision=lax.Precision.HIGHEST) + rootb_ref[...])


def _node_messages(x, w1, b1, w2, b2, w3p, b3r, root, rootb):
    grid = (N // _BLK,)
    full = lambda shape: pl.BlockSpec(shape, lambda i: (0, 0))
    return pl.pallas_call(
        _msg_body,
        grid=grid,
        in_specs=[
            pl.BlockSpec((_BLK, SD), lambda i: (i, 0)),
            full((SD, H)), full((1, H)),
            full((H, H)), full((1, H)),
            full((SD, H * MO)), full((SD, MO)),
            full((SD, MO)), full((1, MO)),
        ],
        out_specs=[
            pl.BlockSpec((_BLK, ROW), lambda i: (i, 0)),
            pl.BlockSpec((_BLK, MO), lambda i: (i, 0)),
        ],
        out_shape=[
            jax.ShapeDtypeStruct((N, ROW), jnp.float32),
            jax.ShapeDtypeStruct((N, MO), jnp.float32),
        ],
    )(x, w1, b1, w2, b2, w3p, b3r, root, rootb)


def _edge_aggregate(m_tab, src_p, dst_p, zeros_init):
    mesh = plsc.VectorSubcoreMesh(core_axis_name="c", subcore_axis_name="s")

    @functools.partial(
        pl.kernel,
        out_type=jax.ShapeDtypeStruct((NUM_CORES, NPAD, ROW), jnp.float32),
        mesh=mesh,
        scratch_types=[
            pltpu.VMEM((CH, CHUNK), jnp.int32),
            pltpu.VMEM((CH, CHUNK), jnp.int32),
            pltpu.VMEM((GROUPS * K * CHUNK, ROW), jnp.float32),
            pltpu.VMEM_SHARED((N, ROW), jnp.float32),
            pltpu.VMEM_SHARED((NPAD, ROW), jnp.float32),
            pltpu.SemaphoreType.DMA,
            pltpu.SemaphoreType.DMA,
        ],
        compiler_params=pltpu.CompilerParams(use_tc_tiling_on_sc=False),
    )
    def edge_kernel(m_hbm, src_hbm, dst_hbm, zero_hbm, out_hbm,
                    src_v, dst_v, msg_v, m_sh, agg_sh, gsem, ssem):
        cid = lax.axis_index("c")
        sid = lax.axis_index("s")
        wid = sid * NUM_CORES + cid
        row0 = sid * ROWS_PER_SUB
        pltpu.sync_copy(zero_hbm.at[pl.ds(row0, ROWS_PER_SUB)],
                        agg_sh.at[pl.ds(row0, ROWS_PER_SUB)])
        mrows = N // NUM_SUBCORES
        pltpu.sync_copy(m_hbm.at[pl.ds(sid * mrows, mrows)],
                        m_sh.at[pl.ds(sid * mrows, mrows)])
        pltpu.sync_copy(src_hbm.at[wid], src_v)
        pltpu.sync_copy(dst_hbm.at[wid], dst_v)
        plsc.subcore_barrier()

        gathers = {0: [
            pltpu.async_copy(
                m_sh.at[src_v.at[b]],
                msg_v.at[pl.ds(b * CHUNK, CHUNK)], gsem)
            for b in range(K)
        ]}
        scatters = []
        for g in range(GROUPS):
            base = g * K
            for h in gathers.pop(g):
                h.wait()
            if g + 1 < GROUPS:
                nbase = (g + 1) * K
                gathers[g + 1] = [
                    pltpu.async_copy(
                        m_sh.at[src_v.at[nbase + b]],
                        msg_v.at[pl.ds((nbase + b) * CHUNK, CHUNK)], gsem)
                    for b in range(K)
                ]
            scatters += [
                pltpu.async_copy(
                    msg_v.at[pl.ds((base + b) * CHUNK, CHUNK)],
                    agg_sh.at[dst_v.at[base + b]], ssem, add=True)
                for b in range(K)
            ]
        for h in scatters:
            h.wait()

        plsc.subcore_barrier()
        pltpu.sync_copy(agg_sh.at[pl.ds(row0, ROWS_PER_SUB)],
                        out_hbm.at[cid, pl.ds(row0, ROWS_PER_SUB)])

    return edge_kernel(m_tab, src_p, dst_p, zeros_init)


def _update_body(x_ref, p_ref, r_ref, w1x_ref, w1m_ref, b1_ref,
                 w2_ref, b2_ref, w3_ref, b3_ref, o_ref):
    x = x_ref[...]
    msgs = p_ref[0, :, :MO] + p_ref[1, :, :MO] + r_ref[...]
    h = jnp.maximum(jnp.dot(x, w1x_ref[...], preferred_element_type=jnp.float32,
                            precision=lax.Precision.HIGHEST)
                    + jnp.dot(msgs, w1m_ref[...],
                              preferred_element_type=jnp.float32,
                              precision=lax.Precision.HIGHEST)
                    + b1_ref[...], 0.0)
    h = jnp.maximum(jnp.dot(h, w2_ref[...], preferred_element_type=jnp.float32,
                            precision=lax.Precision.HIGHEST) + b2_ref[...], 0.0)
    o_ref[...] = (jnp.dot(h, w3_ref[...], preferred_element_type=jnp.float32,
                          precision=lax.Precision.HIGHEST) + b3_ref[...])


def _node_update(x, parts, r, w1x, w1m, b1, w2, b2, w3, b3):
    grid = (N // _BLK,)
    full = lambda shape: pl.BlockSpec(shape, lambda i: (0, 0))
    return pl.pallas_call(
        _update_body,
        grid=grid,
        in_specs=[
            pl.BlockSpec((_BLK, SD), lambda i: (i, 0)),
            pl.BlockSpec((NUM_CORES, _BLK, ROW), lambda i: (0, i, 0)),
            pl.BlockSpec((_BLK, MO), lambda i: (i, 0)),
            full((SD, H)), full((MO, H)), full((1, H)),
            full((H, H)), full((1, H)),
            full((H, SD)), full((1, SD)),
        ],
        out_specs=pl.BlockSpec((_BLK, SD), lambda i: (i, 0)),
        out_shape=jax.ShapeDtypeStruct((N, SD), jnp.float32),
    )(x, parts, r, w1x, w1m, b1, w2, b2, w3, b3)


def kernel(x, edge_index, mW1, mb1, mW2, mb2, mW3, mb3, root, root_b,
           oW1, ob1, oW2, ob2, oW3, ob3):
    src = edge_index[0]
    dst = edge_index[1]
    pad = NW * EPW - E
    src_p = jnp.concatenate([src, jnp.zeros((pad,), jnp.int32)]).reshape(
        NW, CH, CHUNK)
    dst_p = jnp.concatenate([dst, jnp.full((pad,), N, jnp.int32)]).reshape(
        NW, CH, CHUNK)

    mW3p = mW3.reshape(H, SD, MO).transpose(1, 0, 2).reshape(SD, H * MO)
    mb3r = mb3.reshape(SD, MO)
    zeros_init = jnp.zeros((NPAD, ROW), jnp.float32)

    m_tab, r = _node_messages(
        x, mW1, mb1.reshape(1, H), mW2, mb2.reshape(1, H),
        mW3p, mb3r, root, root_b.reshape(1, MO))
    parts = _edge_aggregate(m_tab, src_p, dst_p, zeros_init)
    return _node_update(
        x, parts, r, oW1[:SD], oW1[SD:], ob1.reshape(1, H),
        oW2, ob2.reshape(1, H), oW3, ob3.reshape(1, SD))

# --- scband reference (transcript-rebuilt; emitter-appended) ---
"""Pipeline reference for scband-particle-82240033783923 (READ-ONLY COPY).

The authoritative reference and input builder live on the scoring server;
editing this copy changes nothing except your own understanding.
"""

import jax, jax.numpy as jnp
import numpy as np

N = 10000
E = 320000
SD = 128          # state_dim = 3 + 2*2 + 121
MO = 8            # message_out_channels
H = 32            # MLP hidden_channels
TC = SD + MO      # total_channels for own_state_nn


def _init_w(key, fan_in, shape):
    return (jax.random.normal(key, shape, dtype=jnp.float32) / np.sqrt(fan_in)).astype(jnp.float32)


def setup_inputs(seed: int = 0) -> dict:
    key = jax.random.key(seed)
    ks = jax.random.split(key, 20)
    x = jax.random.normal(ks[0], (N, SD), dtype=jnp.float32)
    edge_index = jax.random.randint(ks[1], (2, E), 0, N, dtype=jnp.int32)
    # message_conv.nn : MLP(SD -> 32 -> 32 -> SD*MO), ReLU between layers
    mW1 = _init_w(ks[2], SD, (SD, H)); mb1 = jnp.zeros((H,), jnp.float32)
    mW2 = _init_w(ks[3], H, (H, H));   mb2 = jnp.zeros((H,), jnp.float32)
    mW3 = _init_w(ks[4], H, (H, SD * MO)); mb3 = jnp.zeros((SD * MO,), jnp.float32)
    # NNConv root weight + bias
    root = _init_w(ks[5], SD, (SD, MO)); root_b = jnp.zeros((MO,), jnp.float32)
    # own_state_nn : MLP(TC -> 32 -> 32 -> SD)
    oW1 = _init_w(ks[6], TC, (TC, H)); ob1 = jnp.zeros((H,), jnp.float32)
    oW2 = _init_w(ks[7], H, (H, H));   ob2 = jnp.zeros((H,), jnp.float32)
    oW3 = _init_w(ks[8], H, (H, SD));  ob3 = jnp.zeros((SD,), jnp.float32)
    return dict(x=x, edge_index=edge_index,
                mW1=mW1, mb1=mb1, mW2=mW2, mb2=mb2, mW3=mW3, mb3=mb3,
                root=root, root_b=root_b,
                oW1=oW1, ob1=ob1, oW2=oW2, ob2=ob2, oW3=oW3, ob3=ob3)


def reference(x, edge_index, mW1, mb1, mW2, mb2, mW3, mb3, root, root_b,
              oW1, ob1, oW2, ob2, oW3, ob3):
    src = edge_index[0]
    dst = edge_index[1]
    # NNConv: per-edge weight matrix produced by the edge network applied to
    # the source-node state (edge features == source state here, since no
    # edge_attr is passed and the nn input dim equals state_dim).
    x_j = jnp.take(x, src, axis=0)                              # [E, SD] gather
    h = jax.nn.relu(x_j @ mW1 + mb1)
    h = jax.nn.relu(h @ mW2 + mb2)
    w_e = (h @ mW3 + mb3).reshape(-1, SD, MO)                   # [E, SD, MO]
    msg = jnp.einsum('ed,edo->eo', x_j, w_e)                    # [E, MO]
    agg = jnp.zeros((x.shape[0], MO), dtype=x.dtype).at[dst].add(msg)  # scatter-add
    messages = agg + x @ root + root_b                          # root weight + bias
    combined = jnp.concatenate([x, messages], axis=-1)          # [N, TC]
    h2 = jax.nn.relu(combined @ oW1 + ob1)
    h2 = jax.nn.relu(h2 @ oW2 + ob2)
    new_state = h2 @ oW3 + ob3                                  # [N, SD]
    return new_state

if __name__ == "__main__":
    import jax
    _d = setup_inputs()
    print(jax.jit(kernel)(*tuple(_d.values())))

</pallas_src>

<mosaic_0001>
#map = affine_map<(d0, d1) -> (0, 0)>
#map1 = affine_map<(d0, d1) -> (0, 0, 0)>
module attributes {stable_mosaic.version = 14 : i64} {
  func.func @edge_kernel(%arg0: i32, %arg1: i32, %arg2: memref<10000x8xf32, #tpu.memory_space<hbm>>, %arg3: memref<32x8x1280xi32, #tpu.memory_space<hbm>>, %arg4: memref<32x8x1280xi32, #tpu.memory_space<hbm>>, %arg5: memref<10240x8xf32, #tpu.memory_space<hbm>>, %arg6: memref<2x10240x8xf32, #tpu.memory_space<hbm>>, %arg7: memref<8x1280xi32, #tpu.memory_space<vmem>>, %arg8: memref<8x1280xi32, #tpu.memory_space<vmem>>, %arg9: memref<10240x8xf32, #tpu.memory_space<vmem>>, %arg10: memref<10000x8xf32, #tpu.memory_space<vmem_shared>>, %arg11: memref<10240x8xf32, #tpu.memory_space<vmem_shared>>, %arg12: memref<!tpu.dma_semaphore, #tpu.memory_space<semaphore_mem>>, %arg13: memref<!tpu.dma_semaphore, #tpu.memory_space<semaphore_mem>>) attributes {dimension_semantics = [#tpu.dimension_semantics<core_parallel>, #tpu.dimension_semantics<subcore_parallel>], iteration_bounds = array<i64: 2, 16>, scalar_prefetch = 0 : i64, scratch_operands = 7 : i64, tpu.core_type = #tpu.core_type<sc_vector_subcore>, window_params = [{transform_indices = #map}, {transform_indices = #map1}, {transform_indices = #map1}, {transform_indices = #map}, {transform_indices = #map1}]} {
    %mul3A = arith.constant 2 : i32
    %mul3A_0 = arith.muli %arg1, %mul3A : i32
    %add3A = arith.addi %mul3A_0, %arg0 : i32
    %mul3A_1 = arith.constant 640 : i32
    %mul3A_2 = arith.muli %arg1, %mul3A_1 : i32
    "tpu.region"() ({
      %run_scoped3A = tpu.sem_alloc : memref<!tpu.dma_semaphore, #tpu.memory_space<semaphore_mem>>
      %dma_start3A_326 = arith.constant 0 : i32
      %dma_start3A_327 = tpu.memref_slice %arg11[%mul3A_2, %dma_start3A_326] : memref<10240x8xf32, #tpu.memory_space<vmem_shared>> -> memref<640x8xf32, #tpu.memory_space<vmem_shared>>
      %dma_start3A_328 = arith.constant 0 : i32
      %dma_start3A_329 = tpu.memref_slice %arg5[%mul3A_2, %dma_start3A_328] : memref<10240x8xf32, #tpu.memory_space<hbm>> -> memref<640x8xf32, #tpu.memory_space<hbm>>
      tpu.enqueue_dma source(%dma_start3A_329 : memref<640x8xf32, #tpu.memory_space<hbm>>) target(%dma_start3A_327 : memref<640x8xf32, #tpu.memory_space<vmem_shared>>) target_semaphore(%run_scoped3A : memref<!tpu.dma_semaphore, #tpu.memory_space<semaphore_mem>>)
      %dma_wait3A_330 = arith.constant 0 : i32
      %dma_wait3A_331 = tpu.memref_slice %arg11[%mul3A_2, %dma_wait3A_330] : memref<10240x8xf32, #tpu.memory_space<vmem_shared>> -> memref<640x8xf32, #tpu.memory_space<vmem_shared>>
      %dma_wait3A_332 = arith.constant 0 : i32
      %dma_wait3A_333 = tpu.memref_slice %arg5[%mul3A_2, %dma_wait3A_332] : memref<10240x8xf32, #tpu.memory_space<hbm>> -> memref<640x8xf32, #tpu.memory_space<hbm>>
      tpu.wait_dma2 semaphore(%run_scoped3A : memref<!tpu.dma_semaphore, #tpu.memory_space<semaphore_mem>>) src(%dma_wait3A_333 : memref<640x8xf32, #tpu.memory_space<hbm>>) dst(%dma_wait3A_331 : memref<640x8xf32, #tpu.memory_space<vmem_shared>>)
      tpu.yield
    }) : () -> ()
    %mul3A_3 = arith.constant 625 : i32
    %mul3A_4 = arith.muli %arg1, %mul3A_3 : i32
    %mul3A_5 = arith.constant 625 : i32
    %mul3A_6 = arith.muli %arg1, %mul3A_5 : i32
    "tpu.region"() ({
      %run_scoped3A = tpu.sem_alloc : memref<!tpu.dma_semaphore, #tpu.memory_space<semaphore_mem>>
      %dma_start3A_326 = arith.constant 0 : i32
      %dma_start3A_327 = tpu.memref_slice %arg10[%mul3A_6, %dma_start3A_326] : memref<10000x8xf32, #tpu.memory_space<vmem_shared>> -> memref<625x8xf32, #tpu.memory_space<vmem_shared>>
      %dma_start3A_328 = arith.constant 0 : i32
      %dma_start3A_329 = tpu.memref_slice %arg2[%mul3A_4, %dma_start3A_328] : memref<10000x8xf32, #tpu.memory_space<hbm>> -> memref<625x8xf32, #tpu.memory_space<hbm>>
      tpu.enqueue_dma source(%dma_start3A_329 : memref<625x8xf32, #tpu.memory_space<hbm>>) target(%dma_start3A_327 : memref<625x8xf32, #tpu.memory_space<vmem_shared>>) target_semaphore(%run_scoped3A : memref<!tpu.dma_semaphore, #tpu.memory_space<semaphore_mem>>)
      %dma_wait3A_330 = arith.constant 0 : i32
      %dma_wait3A_331 = tpu.memref_slice %arg10[%mul3A_6, %dma_wait3A_330] : memref<10000x8xf32, #tpu.memory_space<vmem_shared>> -> memref<625x8xf32, #tpu.memory_space<vmem_shared>>
      %dma_wait3A_332 = arith.constant 0 : i32
      %dma_wait3A_333 = tpu.memref_slice %arg2[%mul3A_4, %dma_wait3A_332] : memref<10000x8xf32, #tpu.memory_space<hbm>> -> memref<625x8xf32, #tpu.memory_space<hbm>>
      tpu.wait_dma2 semaphore(%run_scoped3A : memref<!tpu.dma_semaphore, #tpu.memory_space<semaphore_mem>>) src(%dma_wait3A_333 : memref<625x8xf32, #tpu.memory_space<hbm>>) dst(%dma_wait3A_331 : memref<625x8xf32, #tpu.memory_space<vmem_shared>>)
      tpu.yield
    }) : () -> ()
    "tpu.region"() ({
      %run_scoped3A = tpu.sem_alloc : memref<!tpu.dma_semaphore, #tpu.memory_space<semaphore_mem>>
      %dma_start3A_326 = arith.constant 0 : i32
      %dma_start3A_327 = arith.constant 0 : i32
      %dma_start3A_328 = tpu.memref_slice %arg3[%add3A, %dma_start3A_326, %dma_start3A_327] : memref<32x8x1280xi32, #tpu.memory_space<hbm>> -> memref<1x8x1280xi32, #tpu.memory_space<hbm>>
      %dma_start3A_329 = tpu.memref_squeeze %dma_start3A_328 : memref<1x8x1280xi32, #tpu.memory_space<hbm>> -> memref<8x1280xi32, #tpu.memory_space<hbm>>
      %dma_start3A_330 = arith.constant 0 : i32
      %dma_start3A_331 = arith.constant 0 : i32
      %dma_start3A_332 = tpu.memref_slice %arg3[%add3A, %dma_start3A_330, %dma_start3A_331] : memref<32x8x1280xi32, #tpu.memory_space<hbm>> -> memref<1x8x1280xi32, #tpu.memory_space<hbm>>
      %dma_start3A_333 = tpu.memref_squeeze %dma_start3A_332 : memref<1x8x1280xi32, #tpu.memory_space<hbm>> -> memref<8x1280xi32, #tpu.memory_space<hbm>>
      tpu.enqueue_dma source(%dma_start3A_333 : memref<8x1280xi32, #tpu.memory_space<hbm>>) target(%arg7 : memref<8x1280xi32, #tpu.memory_space<vmem>>) target_semaphore(%run_scoped3A : memref<!tpu.dma_semaphore, #tpu.memory_space<semaphore_mem>>)
      %dma_wait3A_334 = arith.constant 0 : i32
      %dma_wait3A_335 = arith.constant 0 : i32
      %dma_wait3A_336 = tpu.memref_slice %arg3[%add3A, %dma_wait3A_334, %dma_wait3A_335] : memref<32x8x1280xi32, #tpu.memory_space<hbm>> -> memref<1x8x1280xi32, #tpu.memory_space<hbm>>
      %dma_wait3A_337 = tpu.memref_squeeze %dma_wait3A_336 : memref<1x8x1280xi32, #tpu.memory_space<hbm>> -> memref<8x1280xi32, #tpu.memory_space<hbm>>
      %dma_wait3A_338 = arith.constant 0 : i32
      %dma_wait3A_339 = arith.constant 0 : i32
      %dma_wait3A_340 = tpu.memref_slice %arg3[%add3A, %dma_wait3A_338, %dma_wait3A_339] : memref<32x8x1280xi32, #tpu.memory_space<hbm>> -> memref<1x8x1280xi32, #tpu.memory_space<hbm>>
      %dma_wait3A_341 = tpu.memref_squeeze %dma_wait3A_340 : memref<1x8x1280xi32, #tpu.memory_space<hbm>> -> memref<8x1280xi32, #tpu.memory_space<hbm>>
      tpu.wait_dma2 semaphore(%run_scoped3A : memref<!tpu.dma_semaphore, #tpu.memory_space<semaphore_mem>>) src(%dma_wait3A_341 : memref<8x1280xi32, #tpu.memory_space<hbm>>) dst(%arg7 : memref<8x1280xi32, #tpu.memory_space<vmem>>)
      tpu.yield
    }) : () -> ()
    "tpu.region"() ({
      %run_scoped3A = tpu.sem_alloc : memref<!tpu.dma_semaphore, #tpu.memory_space<semaphore_mem>>
      %dma_start3A_326 = arith.constant 0 : i32
      %dma_start3A_327 = arith.constant 0 : i32
      %dma_start3A_328 = tpu.memref_slice %arg4[%add3A, %dma_start3A_326, %dma_start3A_327] : memref<32x8x1280xi32, #tpu.memory_space<hbm>> -> memref<1x8x1280xi32, #tpu.memory_space<hbm>>
      %dma_start3A_329 = tpu.memref_squeeze %dma_start3A_328 : memref<1x8x1280xi32, #tpu.memory_space<hbm>> -> memref<8x1280xi32, #tpu.memory_space<hbm>>
      %dma_start3A_330 = arith.constant 0 : i32
      %dma_start3A_331 = arith.constant 0 : i32
      %dma_start3A_332 = tpu.memref_slice %arg4[%add3A, %dma_start3A_330, %dma_start3A_331] : memref<32x8x1280xi32, #tpu.memory_space<hbm>> -> memref<1x8x1280xi32, #tpu.memory_space<hbm>>
      %dma_start3A_333 = tpu.memref_squeeze %dma_start3A_332 : memref<1x8x1280xi32, #tpu.memory_space<hbm>> -> memref<8x1280xi32, #tpu.memory_space<hbm>>
      tpu.enqueue_dma source(%dma_start3A_333 : memref<8x1280xi32, #tpu.memory_space<hbm>>) target(%arg8 : memref<8x1280xi32, #tpu.memory_space<vmem>>) target_semaphore(%run_scoped3A : memref<!tpu.dma_semaphore, #tpu.memory_space<semaphore_mem>>)
      %dma_wait3A_334 = arith.constant 0 : i32
      %dma_wait3A_335 = arith.constant 0 : i32
      %dma_wait3A_336 = tpu.memref_slice %arg4[%add3A, %dma_wait3A_334, %dma_wait3A_335] : memref<32x8x1280xi32, #tpu.memory_space<hbm>> -> memref<1x8x1280xi32, #tpu.memory_space<hbm>>
      %dma_wait3A_337 = tpu.memref_squeeze %dma_wait3A_336 : memref<1x8x1280xi32, #tpu.memory_space<hbm>> -> memref<8x1280xi32, #tpu.memory_space<hbm>>
      %dma_wait3A_338 = arith.constant 0 : i32
      %dma_wait3A_339 = arith.constant 0 : i32
      %dma_wait3A_340 = tpu.memref_slice %arg4[%add3A, %dma_wait3A_338, %dma_wait3A_339] : memref<32x8x1280xi32, #tpu.memory_space<hbm>> -> memref<1x8x1280xi32, #tpu.memory_space<hbm>>
      %dma_wait3A_341 = tpu.memref_squeeze %dma_wait3A_340 : memref<1x8x1280xi32, #tpu.memory_space<hbm>> -> memref<8x1280xi32, #tpu.memory_space<hbm>>
      tpu.wait_dma2 semaphore(%run_scoped3A : memref<!tpu.dma_semaphore, #tpu.memory_space<semaphore_mem>>) src(%dma_wait3A_341 : memref<8x1280xi32, #tpu.memory_space<hbm>>) dst(%arg8 : memref<8x1280xi32, #tpu.memory_space<vmem>>)
      tpu.yield
    }) : () -> ()
    %barrier3A = arith.constant 0 : index
    tpu.barrier barrier_id(%barrier3A)
    %dma_start3A = arith.constant 0 : i32
    %dma_start3A_7 = arith.constant 0 : i32
    %dma_start3A_8 = arith.constant 0 : i32
    %dma_start3A_9 = tpu.memref_slice %arg9[%dma_start3A_7, %dma_start3A_8] : memref<10240x8xf32, #tpu.memory_space<vmem>> -> memref<1280x8xf32, #tpu.memory_space<vmem>>
    %dma_start3A_10 = arith.constant 0 : i32
    %dma_start3A_11 = tpu.memref_slice %arg7[%dma_start3A, %dma_start3A_10] : memref<8x1280xi32, #tpu.memory_space<vmem>> -> memref<1x1280xi32, #tpu.memory_space<vmem>>
    %dma_start3A_12 = tpu.memref_squeeze %dma_start3A_11 : memref<1x1280xi32, #tpu.memory_space<vmem>> -> memref<1280xi32, #tpu.memory_space<vmem>>
    %dma_start3A_13 = arith.constant 0 : i32
    %dma_start3A_14 = arith.constant 0 : i32
    %dma_start3A_15 = tpu.memref_slice %arg10[%dma_start3A_13, %dma_start3A_14] : memref<10000x8xf32, #tpu.memory_space<vmem_shared>> -> memref<10000x8xf32, #tpu.memory_space<vmem_shared>>
    tpu.enqueue_indirect_dma source(%dma_start3A_15 : memref<10000x8xf32, #tpu.memory_space<vmem_shared>>) target(%dma_start3A_9 : memref<1280x8xf32, #tpu.memory_space<vmem>>) offsets(%dma_start3A_12 : memref<1280xi32, #tpu.memory_space<vmem>>) semaphore(%arg12 : memref<!tpu.dma_semaphore, #tpu.memory_space<semaphore_mem>>)
    %dma_start3A_16 = arith.constant 1 : i32
    %dma_start3A_17 = arith.constant 1280 : i32
    %dma_start3A_18 = arith.constant 0 : i32
    %dma_start3A_19 = tpu.memref_slice %arg9[%dma_start3A_17, %dma_start3A_18] : memref<10240x8xf32, #tpu.memory_space<vmem>> -> memref<1280x8xf32, #tpu.memory_space<vmem>>
    %dma_start3A_20 = arith.constant 0 : i32
    %dma_start3A_21 = tpu.memref_slice %arg7[%dma_start3A_16, %dma_start3A_20] : memref<8x1280xi32, #tpu.memory_space<vmem>> -> memref<1x1280xi32, #tpu.memory_space<vmem>>
    %dma_start3A_22 = tpu.memref_squeeze %dma_start3A_21 : memref<1x1280xi32, #tpu.memory_space<vmem>> -> memref<1280xi32, #tpu.memory_space<vmem>>
    %dma_start3A_23 = arith.constant 0 : i32
    %dma_start3A_24 = arith.constant 0 : i32
    %dma_start3A_25 = tpu.memref_slice %arg10[%dma_start3A_23, %dma_start3A_24] : memref<10000x8xf32, #tpu.memory_space<vmem_shared>> -> memref<10000x8xf32, #tpu.memory_space<vmem_shared>>
    tpu.enqueue_indirect_dma source(%dma_start3A_25 : memref<10000x8xf32, #tpu.memory_space<vmem_shared>>) target(%dma_start3A_19 : memref<1280x8xf32, #tpu.memory_space<vmem>>) offsets(%dma_start3A_22 : memref<1280xi32, #tpu.memory_space<vmem>>) semaphore(%arg12 : memref<!tpu.dma_semaphore, #tpu.memory_space<semaphore_mem>>)
    %dma_start3A_26 = arith.constant 2 : i32
    %dma_start3A_27 = arith.constant 2560 : i32
    %dma_start3A_28 = arith.constant 0 : i32
    %dma_start3A_29 = tpu.memref_slice %arg9[%dma_start3A_27, %dma_start3A_28] : memref<10240x8xf32, #tpu.memory_space<vmem>> -> memref<1280x8xf32, #tpu.memory_space<vmem>>
    %dma_start3A_30 = arith.constant 0 : i32
    %dma_start3A_31 = tpu.memref_slice %arg7[%dma_start3A_26, %dma_start3A_30] : memref<8x1280xi32, #tpu.memory_space<vmem>> -> memref<1x1280xi32, #tpu.memory_space<vmem>>
    %dma_start3A_32 = tpu.memref_squeeze %dma_start3A_31 : memref<1x1280xi32, #tpu.memory_space<vmem>> -> memref<1280xi32, #tpu.memory_space<vmem>>
    %dma_start3A_33 = arith.constant 0 : i32
    %dma_start3A_34 = arith.constant 0 : i32
    %dma_start3A_35 = tpu.memref_slice %arg10[%dma_start3A_33, %dma_start3A_34] : memref<10000x8xf32, #tpu.memory_space<vmem_shared>> -> memref<10000x8xf32, #tpu.memory_space<vmem_shared>>
    tpu.enqueue_indirect_dma source(%dma_start3A_35 : memref<10000x8xf32, #tpu.memory_space<vmem_shared>>) target(%dma_start3A_29 : memref<1280x8xf32, #tpu.memory_space<vmem>>) offsets(%dma_start3A_32 : memref<1280xi32, #tpu.memory_space<vmem>>) semaphore(%arg12 : memref<!tpu.dma_semaphore, #tpu.memory_space<semaphore_mem>>)
    %dma_start3A_36 = arith.constant 3 : i32
    %dma_start3A_37 = arith.constant 3840 : i32
    %dma_start3A_38 = arith.constant 0 : i32
    %dma_start3A_39 = tpu.memref_slice %arg9[%dma_start3A_37, %dma_start3A_38] : memref<10240x8xf32, #tpu.memory_space<vmem>> -> memref<1280x8xf32, #tpu.memory_space<vmem>>
    %dma_start3A_40 = arith.constant 0 : i32
    %dma_start3A_41 = tpu.memref_slice %arg7[%dma_start3A_36, %dma_start3A_40] : memref<8x1280xi32, #tpu.memory_space<vmem>> -> memref<1x1280xi32, #tpu.memory_space<vmem>>
    %dma_start3A_42 = tpu.memref_squeeze %dma_start3A_41 : memref<1x1280xi32, #tpu.memory_space<vmem>> -> memref<1280xi32, #tpu.memory_space<vmem>>
    %dma_start3A_43 = arith.constant 0 : i32
    %dma_start3A_44 = arith.constant 0 : i32
    %dma_start3A_45 = tpu.memref_slice %arg10[%dma_start3A_43, %dma_start3A_44] : memref<10000x8xf32, #tpu.memory_space<vmem_shared>> -> memref<10000x8xf32, #tpu.memory_space<vmem_shared>>
    tpu.enqueue_indirect_dma source(%dma_start3A_45 : memref<10000x8xf32, #tpu.memory_space<vmem_shared>>) target(%dma_start3A_39 : memref<1280x8xf32, #tpu.memory_space<vmem>>) offsets(%dma_start3A_42 : memref<1280xi32, #tpu.memory_space<vmem>>) semaphore(%arg12 : memref<!tpu.dma_semaphore, #tpu.memory_space<semaphore_mem>>)
    %dma_wait3A = arith.constant 0 : i32
    %dma_wait3A_46 = arith.constant 0 : i32
    %dma_wait3A_47 = arith.constant 0 : i32
    %dma_wait3A_48 = tpu.memref_slice %arg9[%dma_wait3A_46, %dma_wait3A_47] : memref<10240x8xf32, #tpu.memory_space<vmem>> -> memref<1280x8xf32, #tpu.memory_space<vmem>>
    %dma_wait3A_49 = arith.constant 0 : i32
    %dma_wait3A_50 = tpu.memref_slice %arg7[%dma_wait3A, %dma_wait3A_49] : memref<8x1280xi32, #tpu.memory_space<vmem>> -> memref<1x1280xi32, #tpu.memory_space<vmem>>
    %dma_wait3A_51 = tpu.memref_squeeze %dma_wait3A_50 : memref<1x1280xi32, #tpu.memory_space<vmem>> -> memref<1280xi32, #tpu.memory_space<vmem>>
    %dma_wait3A_52 = arith.constant 0 : i32
    %dma_wait3A_53 = arith.constant 0 : i32
    %dma_wait3A_54 = tpu.memref_slice %arg10[%dma_wait3A_52, %dma_wait3A_53] : memref<10000x8xf32, #tpu.memory_space<vmem_shared>> -> memref<10000x8xf32, #tpu.memory_space<vmem_shared>>
    tpu.wait_indirect_dma semaphore(%arg12 : memref<!tpu.dma_semaphore, #tpu.memory_space<semaphore_mem>>) src(%dma_wait3A_54 : memref<10000x8xf32, #tpu.memory_space<vmem_shared>>) dst(%dma_wait3A_48 : memref<1280x8xf32, #tpu.memory_space<vmem>>)
    %dma_wait3A_55 = arith.constant 1 : i32
    %dma_wait3A_56 = arith.constant 1280 : i32
    %dma_wait3A_57 = arith.constant 0 : i32
    %dma_wait3A_58 = tpu.memref_slice %arg9[%dma_wait3A_56, %dma_wait3A_57] : memref<10240x8xf32, #tpu.memory_space<vmem>> -> memref<1280x8xf32, #tpu.memory_space<vmem>>
    %dma_wait3A_59 = arith.constant 0 : i32
    %dma_wait3A_60 = tpu.memref_slice %arg7[%dma_wait3A_55, %dma_wait3A_59] : memref<8x1280xi32, #tpu.memory_space<vmem>> -> memref<1x1280xi32, #tpu.memory_space<vmem>>
    %dma_wait3A_61 = tpu.memref_squeeze %dma_wait3A_60 : memref<1x1280xi32, #tpu.memory_space<vmem>> -> memref<1280xi32, #tpu.memory_space<vmem>>
    %dma_wait3A_62 = arith.constant 0 : i32
    %dma_wait3A_63 = arith.constant 0 : i32
    %dma_wait3A_64 = tpu.memref_slice %arg10[%dma_wait3A_62, %dma_wait3A_63] : memref<10000x8xf32, #tpu.memory_space<vmem_shared>> -> memref<10000x8xf32, #tpu.memory_space<vmem_shared>>
    tpu.wait_indirect_dma semaphore(%arg12 : memref<!tpu.dma_semaphore, #tpu.memory_space<semaphore_mem>>) src(%dma_wait3A_64 : memref<10000x8xf32, #tpu.memory_space<vmem_shared>>) dst(%dma_wait3A_58 : memref<1280x8xf32, #tpu.memory_space<vmem>>)
    %dma_wait3A_65 = arith.constant 2 : i32
    %dma_wait3A_66 = arith.constant 2560 : i32
    %dma_wait3A_67 = arith.constant 0 : i32
    %dma_wait3A_68 = tpu.memref_slice %arg9[%dma_wait3A_66, %dma_wait3A_67] : memref<10240x8xf32, #tpu.memory_space<vmem>> -> memref<1280x8xf32, #tpu.memory_space<vmem>>
    %dma_wait3A_69 = arith.constant 0 : i32
    %dma_wait3A_70 = tpu.memref_slice %arg7[%dma_wait3A_65, %dma_wait3A_69] : memref<8x1280xi32, #tpu.memory_space<vmem>> -> memref<1x1280xi32, #tpu.memory_space<vmem>>
    %dma_wait3A_71 = tpu.memref_squeeze %dma_wait3A_70 : memref<1x1280xi32, #tpu.memory_space<vmem>> -> memref<1280xi32, #tpu.memory_space<vmem>>
    %dma_wait3A_72 = arith.constant 0 : i32
    %dma_wait3A_73 = arith.constant 0 : i32
    %dma_wait3A_74 = tpu.memref_slice %arg10[%dma_wait3A_72, %dma_wait3A_73] : memref<10000x8xf32, #tpu.memory_space<vmem_shared>> -> memref<10000x8xf32, #tpu.memory_space<vmem_shared>>
    tpu.wait_indirect_dma semaphore(%arg12 : memref<!tpu.dma_semaphore, #tpu.memory_space<semaphore_mem>>) src(%dma_wait3A_74 : memref<10000x8xf32, #tpu.memory_space<vmem_shared>>) dst(%dma_wait3A_68 : memref<1280x8xf32, #tpu.memory_space<vmem>>)
    %dma_wait3A_75 = arith.constant 3 : i32
    %dma_wait3A_76 = arith.constant 3840 : i32
    %dma_wait3A_77 = arith.constant 0 : i32
    %dma_wait3A_78 = tpu.memref_slice %arg9[%dma_wait3A_76, %dma_wait3A_77] : memref<10240x8xf32, #tpu.memory_space<vmem>> -> memref<1280x8xf32, #tpu.memory_space<vmem>>
    %dma_wait3A_79 = arith.constant 0 : i32
    %dma_wait3A_80 = tpu.memref_slice %arg7[%dma_wait3A_75, %dma_wait3A_79] : memref<8x1280xi32, #tpu.memory_space<vmem>> -> memref<1x1280xi32, #tpu.memory_space<vmem>>
    %dma_wait3A_81 = tpu.memref_squeeze %dma_wait3A_80 : memref<1x1280xi32, #tpu.memory_space<vmem>> -> memref<1280xi32, #tpu.memory_space<vmem>>
    %dma_wait3A_82 = arith.constant 0 : i32
    %dma_wait3A_83 = arith.constant 0 : i32
    %dma_wait3A_84 = tpu.memref_slice %arg10[%dma_wait3A_82, %dma_wait3A_83] : memref<10000x8xf32, #tpu.memory_space<vmem_shared>> -> memref<10000x8xf32, #tpu.memory_space<vmem_shared>>
    tpu.wait_indirect_dma semaphore(%arg12 : memref<!tpu.dma_semaphore, #tpu.memory_space<semaphore_mem>>) src(%dma_wait3A_84 : memref<10000x8xf32, #tpu.memory_space<vmem_shared>>) dst(%dma_wait3A_78 : memref<1280x8xf32, #tpu.memory_space<vmem>>)
    %dma_start3A_85 = arith.constant 4 : i32
    %dma_start3A_86 = arith.constant 5120 : i32
    %dma_start3A_87 = arith.constant 0 : i32
    %dma_start3A_88 = tpu.memref_slice %arg9[%dma_start3A_86, %dma_start3A_87] : memref<10240x8xf32, #tpu.memory_space<vmem>> -> memref<1280x8xf32, #tpu.memory_space<vmem>>
    %dma_start3A_89 = arith.constant 0 : i32
    %dma_start3A_90 = tpu.memref_slice %arg7[%dma_start3A_85, %dma_start3A_89] : memref<8x1280xi32, #tpu.memory_space<vmem>> -> memref<1x1280xi32, #tpu.memory_space<vmem>>
    %dma_start3A_91 = tpu.memref_squeeze %dma_start3A_90 : memref<1x1280xi32, #tpu.memory_space<vmem>> -> memref<1280xi32, #tpu.memory_space<vmem>>
    %dma_start3A_92 = arith.constant 0 : i32
    %dma_start3A_93 = arith.constant 0 : i32
    %dma_start3A_94 = tpu.memref_slice %arg10[%dma_start3A_92, %dma_start3A_93] : memref<10000x8xf32, #tpu.memory_space<vmem_shared>> -> memref<10000x8xf32, #tpu.memory_space<vmem_shared>>
    tpu.enqueue_indirect_dma source(%dma_start3A_94 : memref<10000x8xf32, #tpu.memory_space<vmem_shared>>) target(%dma_start3A_88 : memref<1280x8xf32, #tpu.memory_space<vmem>>) offsets(%dma_start3A_91 : memref<1280xi32, #tpu.memory_space<vmem>>) semaphore(%arg12 : memref<!tpu.dma_semaphore, #tpu.memory_space<semaphore_mem>>)
    %dma_start3A_95 = arith.constant 5 : i32
    %dma_start3A_96 = arith.constant 6400 : i32
    %dma_start3A_97 = arith.constant 0 : i32
    %dma_start3A_98 = tpu.memref_slice %arg9[%dma_start3A_96, %dma_start3A_97] : memref<10240x8xf32, #tpu.memory_space<vmem>> -> memref<1280x8xf32, #tpu.memory_space<vmem>>
    %dma_start3A_99 = arith.constant 0 : i32
    %dma_start3A_100 = tpu.memref_slice %arg7[%dma_start3A_95, %dma_start3A_99] : memref<8x1280xi32, #tpu.memory_space<vmem>> -> memref<1x1280xi32, #tpu.memory_space<vmem>>
    %dma_start3A_101 = tpu.memref_squeeze %dma_start3A_100 : memref<1x1280xi32, #tpu.memory_space<vmem>> -> memref<1280xi32, #tpu.memory_space<vmem>>
    %dma_start3A_102 = arith.constant 0 : i32
    %dma_start3A_103 = arith.constant 0 : i32
    %dma_start3A_104 = tpu.memref_slice %arg10[%dma_start3A_102, %dma_start3A_103] : memref<10000x8xf32, #tpu.memory_space<vmem_shared>> -> memref<10000x8xf32, #tpu.memory_space<vmem_shared>>
    tpu.enqueue_indirect_dma source(%dma_start3A_104 : memref<10000x8xf32, #tpu.memory_space<vmem_shared>>) target(%dma_start3A_98 : memref<1280x8xf32, #tpu.memory_space<vmem>>) offsets(%dma_start3A_101 : memref<1280xi32, #tpu.memory_space<vmem>>) semaphore(%arg12 : memref<!tpu.dma_semaphore, #tpu.memory_space<semaphore_mem>>)
    %dma_start3A_105 = arith.constant 6 : i32
    %dma_start3A_106 = arith.constant 7680 : i32
    %dma_start3A_107 = arith.constant 0 : i32
    %dma_start3A_108 = tpu.memref_slice %arg9[%dma_start3A_106, %dma_start3A_107] : memref<10240x8xf32, #tpu.memory_space<vmem>> -> memref<1280x8xf32, #tpu.memory_space<vmem>>
    %dma_start3A_109 = arith.constant 0 : i32
    %dma_start3A_110 = tpu.memref_slice %arg7[%dma_start3A_105, %dma_start3A_109] : memref<8x1280xi32, #tpu.memory_space<vmem>> -> memref<1x1280xi32, #tpu.memory_space<vmem>>
    %dma_start3A_111 = tpu.memref_squeeze %dma_start3A_110 : memref<1x1280xi32, #tpu.memory_space<vmem>> -> memref<1280xi32, #tpu.memory_space<vmem>>
    %dma_start3A_112 = arith.constant 0 : i32
    %dma_start3A_113 = arith.constant 0 : i32
    %dma_start3A_114 = tpu.memref_slice %arg10[%dma_start3A_112, %dma_start3A_113] : memref<10000x8xf32, #tpu.memory_space<vmem_shared>> -> memref<10000x8xf32, #tpu.memory_space<vmem_shared>>
    tpu.enqueue_indirect_dma source(%dma_start3A_114 : memref<10000x8xf32, #tpu.memory_space<vmem_shared>>) target(%dma_start3A_108 : memref<1280x8xf32, #tpu.memory_space<vmem>>) offsets(%dma_start3A_111 : memref<1280xi32, #tpu.memory_space<vmem>>) semaphore(%arg12 : memref<!tpu.dma_semaphore, #tpu.memory_space<semaphore_mem>>)
    %dma_start3A_115 = arith.constant 7 : i32
    %dma_start3A_116 = arith.constant 8960 : i32
    %dma_start3A_117 = arith.constant 0 : i32
    %dma_start3A_118 = tpu.memref_slice %arg9[%dma_start3A_116, %dma_start3A_117] : memref<10240x8xf32, #tpu.memory_space<vmem>> -> memref<1280x8xf32, #tpu.memory_space<vmem>>
    %dma_start3A_119 = arith.constant 0 : i32
    %dma_start3A_120 = tpu.memref_slice %arg7[%dma_start3A_115, %dma_start3A_119] : memref<8x1280xi32, #tpu.memory_space<vmem>> -> memref<1x1280xi32, #tpu.memory_space<vmem>>
    %dma_start3A_121 = tpu.memref_squeeze %dma_start3A_120 : memref<1x1280xi32, #tpu.memory_space<vmem>> -> memref<1280xi32, #tpu.memory_space<vmem>>
    %dma_start3A_122 = arith.constant 0 : i32
    %dma_start3A_123 = arith.constant 0 : i32
    %dma_start3A_124 = tpu.memref_slice %arg10[%dma_start3A_122, %dma_start3A_123] : memref<10000x8xf32, #tpu.memory_space<vmem_shared>> -> memref<10000x8xf32, #tpu.memory_space<vmem_shared>>
    tpu.enqueue_indirect_dma source(%dma_start3A_124 : memref<10000x8xf32, #tpu.memory_space<vmem_shared>>) target(%dma_start3A_118 : memref<1280x8xf32, #tpu.memory_space<vmem>>) offsets(%dma_start3A_121 : memref<1280xi32, #tpu.memory_space<vmem>>) semaphore(%arg12 : memref<!tpu.dma_semaphore, #tpu.memory_space<semaphore_mem>>)
    %dma_start3A_125 = arith.constant 0 : i32
    %dma_start3A_126 = arith.constant 0 : i32
    %dma_start3A_127 = arith.constant 0 : i32
    %dma_start3A_128 = tpu.memref_slice %arg9[%dma_start3A_126, %dma_start3A_127] : memref<10240x8xf32, #tpu.memory_space<vmem>> -> memref<1280x8xf32, #tpu.memory_space<vmem>>
    %dma_start3A_129 = arith.constant 0 : i32
    %dma_start3A_130 = tpu.memref_slice %arg8[%dma_start3A_125, %dma_start3A_129] : memref<8x1280xi32, #tpu.memory_space<vmem>> -> memref<1x1280xi32, #tpu.memory_space<vmem>>
    %dma_start3A_131 = tpu.memref_squeeze %dma_start3A_130 : memref<1x1280xi32, #tpu.memory_space<vmem>> -> memref<1280xi32, #tpu.memory_space<vmem>>
    %dma_start3A_132 = arith.constant 0 : i32
    %dma_start3A_133 = arith.constant 0 : i32
    %dma_start3A_134 = tpu.memref_slice %arg11[%dma_start3A_132, %dma_start3A_133] : memref<10240x8xf32, #tpu.memory_space<vmem_shared>> -> memref<10240x8xf32, #tpu.memory_space<vmem_shared>>
    tpu.enqueue_indirect_dma source(%dma_start3A_128 : memref<1280x8xf32, #tpu.memory_space<vmem>>) target(%dma_start3A_134 : memref<10240x8xf32, #tpu.memory_space<vmem_shared>>) offsets(%dma_start3A_131 : memref<1280xi32, #tpu.memory_space<vmem>>) semaphore(%arg13 : memref<!tpu.dma_semaphore, #tpu.memory_space<semaphore_mem>>) {add = true}
    %dma_start3A_135 = arith.constant 1 : i32
    %dma_start3A_136 = arith.constant 1280 : i32
    %dma_start3A_137 = arith.constant 0 : i32
    %dma_start3A_138 = tpu.memref_slice %arg9[%dma_start3A_136, %dma_start3A_137] : memref<10240x8xf32, #tpu.memory_space<vmem>> -> memref<1280x8xf32, #tpu.memory_space<vmem>>
    %dma_start3A_139 = arith.constant 0 : i32
    %dma_start3A_140 = tpu.memref_slice %arg8[%dma_start3A_135, %dma_start3A_139] : memref<8x1280xi32, #tpu.memory_space<vmem>> -> memref<1x1280xi32, #tpu.memory_space<vmem>>
    %dma_start3A_141 = tpu.memref_squeeze %dma_start3A_140 : memref<1x1280xi32, #tpu.memory_space<vmem>> -> memref<1280xi32, #tpu.memory_space<vmem>>
    %dma_start3A_142 = arith.constant 0 : i32
    %dma_start3A_143 = arith.constant 0 : i32
    %dma_start3A_144 = tpu.memref_slice %arg11[%dma_start3A_142, %dma_start3A_143] : memref<10240x8xf32, #tpu.memory_space<vmem_shared>> -> memref<10240x8xf32, #tpu.memory_space<vmem_shared>>
    tpu.enqueue_indirect_dma source(%dma_start3A_138 : memref<1280x8xf32, #tpu.memory_space<vmem>>) target(%dma_start3A_144 : memref<10240x8xf32, #tpu.memory_space<vmem_shared>>) offsets(%dma_start3A_141 : memref<1280xi32, #tpu.memory_space<vmem>>) semaphore(%arg13 : memref<!tpu.dma_semaphore, #tpu.memory_space<semaphore_mem>>) {add = true}
    %dma_start3A_145 = arith.constant 2 : i32
    %dma_start3A_146 = arith.constant 2560 : i32
    %dma_start3A_147 = arith.constant 0 : i32
    %dma_start3A_148 = tpu.memref_slice %arg9[%dma_start3A_146, %dma_start3A_147] : memref<10240x8xf32, #tpu.memory_space<vmem>> -> memref<1280x8xf32, #tpu.memory_space<vmem>>
    %dma_start3A_149 = arith.constant 0 : i32
    %dma_start3A_150 = tpu.memref_slice %arg8[%dma_start3A_145, %dma_start3A_149] : memref<8x1280xi32, #tpu.memory_space<vmem>> -> memref<1x1280xi32, #tpu.memory_space<vmem>>
    %dma_start3A_151 = tpu.memref_squeeze %dma_start3A_150 : memref<1x1280xi32, #tpu.memory_space<vmem>> -> memref<1280xi32, #tpu.memory_space<vmem>>
    %dma_start3A_152 = arith.constant 0 : i32
    %dma_start3A_153 = arith.constant 0 : i32
    %dma_start3A_154 = tpu.memref_slice %arg11[%dma_start3A_152, %dma_start3A_153] : memref<10240x8xf32, #tpu.memory_space<vmem_shared>> -> memref<10240x8xf32, #tpu.memory_space<vmem_shared>>
    tpu.enqueue_indirect_dma source(%dma_start3A_148 : memref<1280x8xf32, #tpu.memory_space<vmem>>) target(%dma_start3A_154 : memref<10240x8xf32, #tpu.memory_space<vmem_shared>>) offsets(%dma_start3A_151 : memref<1280xi32, #tpu.memory_space<vmem>>) semaphore(%arg13 : memref<!tpu.dma_semaphore, #tpu.memory_space<semaphore_mem>>) {add = true}
    %dma_start3A_155 = arith.constant 3 : i32
    %dma_start3A_156 = arith.constant 3840 : i32
    %dma_start3A_157 = arith.constant 0 : i32
    %dma_start3A_158 = tpu.memref_slice %arg9[%dma_start3A_156, %dma_start3A_157] : memref<10240x8xf32, #tpu.memory_space<vmem>> -> memref<1280x8xf32, #tpu.memory_space<vmem>>
    %dma_start3A_159 = arith.constant 0 : i32
    %dma_start3A_160 = tpu.memref_slice %arg8[%dma_start3A_155, %dma_start3A_159] : memref<8x1280xi32, #tpu.memory_space<vmem>> -> memref<1x1280xi32, #tpu.memory_space<vmem>>
    %dma_start3A_161 = tpu.memref_squeeze %dma_start3A_160 : memref<1x1280xi32, #tpu.memory_space<vmem>> -> memref<1280xi32, #tpu.memory_space<vmem>>
    %dma_start3A_162 = arith.constant 0 : i32
    %dma_start3A_163 = arith.constant 0 : i32
    %dma_start3A_164 = tpu.memref_slice %arg11[%dma_start3A_162, %dma_start3A_163] : memref<10240x8xf32, #tpu.memory_space<vmem_shared>> -> memref<10240x8xf32, #tpu.memory_space<vmem_shared>>
    tpu.enqueue_indirect_dma source(%dma_start3A_158 : memref<1280x8xf32, #tpu.memory_space<vmem>>) target(%dma_start3A_164 : memref<10240x8xf32, #tpu.memory_space<vmem_shared>>) offsets(%dma_start3A_161 : memref<1280xi32, #tpu.memory_space<vmem>>) semaphore(%arg13 : memref<!tpu.dma_semaphore, #tpu.memory_space<semaphore_mem>>) {add = true}
    %dma_wait3A_165 = arith.constant 4 : i32
    %dma_wait3A_166 = arith.constant 5120 : i32
    %dma_wait3A_167 = arith.constant 0 : i32
    %dma_wait3A_168 = tpu.memref_slice %arg9[%dma_wait3A_166, %dma_wait3A_167] : memref<10240x8xf32, #tpu.memory_space<vmem>> -> memref<1280x8xf32, #tpu.memory_space<vmem>>
    %dma_wait3A_169 = arith.constant 0 : i32
    %dma_wait3A_170 = tpu.memref_slice %arg7[%dma_wait3A_165, %dma_wait3A_169] : memref<8x1280xi32, #tpu.memory_space<vmem>> -> memref<1x1280xi32, #tpu.memory_space<vmem>>
    %dma_wait3A_171 = tpu.memref_squeeze %dma_wait3A_170 : memref<1x1280xi32, #tpu.memory_space<vmem>> -> memref<1280xi32, #tpu.memory_space<vmem>>
    %dma_wait3A_172 = arith.constant 0 : i32
    %dma_wait3A_173 = arith.constant 0 : i32
    %dma_wait3A_174 = tpu.memref_slice %arg10[%dma_wait3A_172, %dma_wait3A_173] : memref<10000x8xf32, #tpu.memory_space<vmem_shared>> -> memref<10000x8xf32, #tpu.memory_space<vmem_shared>>
    tpu.wait_indirect_dma semaphore(%arg12 : memref<!tpu.dma_semaphore, #tpu.memory_space<semaphore_mem>>) src(%dma_wait3A_174 : memref<10000x8xf32, #tpu.memory_space<vmem_shared>>) dst(%dma_wait3A_168 : memref<1280x8xf32, #tpu.memory_space<vmem>>)
    %dma_wait3A_175 = arith.constant 5 : i32
    %dma_wait3A_176 = arith.constant 6400 : i32
    %dma_wait3A_177 = arith.constant 0 : i32
    %dma_wait3A_178 = tpu.memref_slice %arg9[%dma_wait3A_176, %dma_wait3A_177] : memref<10240x8xf32, #tpu.memory_space<vmem>> -> memref<1280x8xf32, #tpu.memory_space<vmem>>
    %dma_wait3A_179 = arith.constant 0 : i32
    %dma_wait3A_180 = tpu.memref_slice %arg7[%dma_wait3A_175, %dma_wait3A_179] : memref<8x1280xi32, #tpu.memory_space<vmem>> -> memref<1x1280xi32, #tpu.memory_space<vmem>>
    %dma_wait3A_181 = tpu.memref_squeeze %dma_wait3A_180 : memref<1x1280xi32, #tpu.memory_space<vmem>> -> memref<1280xi32, #tpu.memory_space<vmem>>
    %dma_wait3A_182 = arith.constant 0 : i32
    %dma_wait3A_183 = arith.constant 0 : i32
    %dma_wait3A_184 = tpu.memref_slice %arg10[%dma_wait3A_182, %dma_wait3A_183] : memref<10000x8xf32, #tpu.memory_space<vmem_shared>> -> memref<10000x8xf32, #tpu.memory_space<vmem_shared>>
    tpu.wait_indirect_dma semaphore(%arg12 : memref<!tpu.dma_semaphore, #tpu.memory_space<semaphore_mem>>) src(%dma_wait3A_184 : memref<10000x8xf32, #tpu.memory_space<vmem_shared>>) dst(%dma_wait3A_178 : memref<1280x8xf32, #tpu.memory_space<vmem>>)
    %dma_wait3A_185 = arith.constant 6 : i32
    %dma_wait3A_186 = arith.constant 7680 : i32
    %dma_wait3A_187 = arith.constant 0 : i32
    %dma_wait3A_188 = tpu.memref_slice %arg9[%dma_wait3A_186, %dma_wait3A_187] : memref<10240x8xf32, #tpu.memory_space<vmem>> -> memref<1280x8xf32, #tpu.memory_space<vmem>>
    %dma_wait3A_189 = arith.constant 0 : i32
    %dma_wait3A_190 = tpu.memref_slice %arg7[%dma_wait3A_185, %dma_wait3A_189] : memref<8x1280xi32, #tpu.memory_space<vmem>> -> memref<1x1280xi32, #tpu.memory_space<vmem>>
    %dma_wait3A_191 = tpu.memref_squeeze %dma_wait3A_190 : memref<1x1280xi32, #tpu.memory_space<vmem>> -> memref<1280xi32, #tpu.memory_space<vmem>>
    %dma_wait3A_192 = arith.constant 0 : i32
    %dma_wait3A_193 = arith.constant 0 : i32
    %dma_wait3A_194 = tpu.memref_slice %arg10[%dma_wait3A_192, %dma_wait3A_193] : memref<10000x8xf32, #tpu.memory_space<vmem_shared>> -> memref<10000x8xf32, #tpu.memory_space<vmem_shared>>
    tpu.wait_indirect_dma semaphore(%arg12 : memref<!tpu.dma_semaphore, #tpu.memory_space<semaphore_mem>>) src(%dma_wait3A_194 : memref<10000x8xf32, #tpu.memory_space<vmem_shared>>) dst(%dma_wait3A_188 : memref<1280x8xf32, #tpu.memory_space<vmem>>)
    %dma_wait3A_195 = arith.constant 7 : i32
    %dma_wait3A_196 = arith.constant 8960 : i32
    %dma_wait3A_197 = arith.constant 0 : i32
    %dma_wait3A_198 = tpu.memref_slice %arg9[%dma_wait3A_196, %dma_wait3A_197] : memref<10240x8xf32, #tpu.memory_space<vmem>> -> memref<1280x8xf32, #tpu.memory_space<vmem>>
    %dma_wait3A_199 = arith.constant 0 : i32
    %dma_wait3A_200 = tpu.memref_slice %arg7[%dma_wait3A_195, %dma_wait3A_199] : memref<8x1280xi32, #tpu.memory_space<vmem>> -> memref<1x1280xi32, #tpu.memory_space<vmem>>
    %dma_wait3A_201 = tpu.memref_squeeze %dma_wait3A_200 : memref<1x1280xi32, #tpu.memory_space<vmem>> -> memref<1280xi32, #tpu.memory_space<vmem>>
    %dma_wait3A_202 = arith.constant 0 : i32
    %dma_wait3A_203 = arith.constant 0 : i32
    %dma_wait3A_204 = tpu.memref_slice %arg10[%dma_wait3A_202, %dma_wait3A_203] : memref<10000x8xf32, #tpu.memory_space<vmem_shared>> -> memref<10000x8xf32, #tpu.memory_space<vmem_shared>>
    tpu.wait_indirect_dma semaphore(%arg12 : memref<!tpu.dma_semaphore, #tpu.memory_space<semaphore_mem>>) src(%dma_wait3A_204 : memref<10000x8xf32, #tpu.memory_space<vmem_shared>>) dst(%dma_wait3A_198 : memref<1280x8xf32, #tpu.memory_space<vmem>>)
    %dma_start3A_205 = arith.constant 4 : i32
    %dma_start3A_206 = arith.constant 5120 : i32
    %dma_start3A_207 = arith.constant 0 : i32
    %dma_start3A_208 = tpu.memref_slice %arg9[%dma_start3A_206, %dma_start3A_207] : memref<10240x8xf32, #tpu.memory_space<vmem>> -> memref<1280x8xf32, #tpu.memory_space<vmem>>
    %dma_start3A_209 = arith.constant 0 : i32
    %dma_start3A_210 = tpu.memref_slice %arg8[%dma_start3A_205, %dma_start3A_209] : memref<8x1280xi32, #tpu.memory_space<vmem>> -> memref<1x1280xi32, #tpu.memory_space<vmem>>
    %dma_start3A_211 = tpu.memref_squeeze %dma_start3A_210 : memref<1x1280xi32, #tpu.memory_space<vmem>> -> memref<1280xi32, #tpu.memory_space<vmem>>
    %dma_start3A_212 = arith.constant 0 : i32
    %dma_start3A_213 = arith.constant 0 : i32
    %dma_start3A_214 = tpu.memref_slice %arg11[%dma_start3A_212, %dma_start3A_213] : memref<10240x8xf32, #tpu.memory_space<vmem_shared>> -> memref<10240x8xf32, #tpu.memory_space<vmem_shared>>
    tpu.enqueue_indirect_dma source(%dma_start3A_208 : memref<1280x8xf32, #tpu.memory_space<vmem>>) target(%dma_start3A_214 : memref<10240x8xf32, #tpu.memory_space<vmem_shared>>) offsets(%dma_start3A_211 : memref<1280xi32, #tpu.memory_space<vmem>>) semaphore(%arg13 : memref<!tpu.dma_semaphore, #tpu.memory_space<semaphore_mem>>) {add = true}
    %dma_start3A_215 = arith.constant 5 : i32
    %dma_start3A_216 = arith.constant 6400 : i32
    %dma_start3A_217 = arith.constant 0 : i32
    %dma_start3A_218 = tpu.memref_slice %arg9[%dma_start3A_216, %dma_start3A_217] : memref<10240x8xf32, #tpu.memory_space<vmem>> -> memref<1280x8xf32, #tpu.memory_space<vmem>>
    %dma_start3A_219 = arith.constant 0 : i32
    %dma_start3A_220 = tpu.memref_slice %arg8[%dma_start3A_215, %dma_start3A_219] : memref<8x1280xi32, #tpu.memory_space<vmem>> -> memref<1x1280xi32, #tpu.memory_space<vmem>>
    %dma_start3A_221 = tpu.memref_squeeze %dma_start3A_220 : memref<1x1280xi32, #tpu.memory_space<vmem>> -> memref<1280xi32, #tpu.memory_space<vmem>>
    %dma_start3A_222 = arith.constant 0 : i32
    %dma_start3A_223 = arith.constant 0 : i32
    %dma_start3A_224 = tpu.memref_slice %arg11[%dma_start3A_222, %dma_start3A_223] : memref<10240x8xf32, #tpu.memory_space<vmem_shared>> -> memref<10240x8xf32, #tpu.memory_space<vmem_shared>>
    tpu.enqueue_indirect_dma source(%dma_start3A_218 : memref<1280x8xf32, #tpu.memory_space<vmem>>) target(%dma_start3A_224 : memref<10240x8xf32, #tpu.memory_space<vmem_shared>>) offsets(%dma_start3A_221 : memref<1280xi32, #tpu.memory_space<vmem>>) semaphore(%arg13 : memref<!tpu.dma_semaphore, #tpu.memory_space<semaphore_mem>>) {add = true}
    %dma_start3A_225 = arith.constant 6 : i32
    %dma_start3A_226 = arith.constant 7680 : i32
    %dma_start3A_227 = arith.constant 0 : i32
    %dma_start3A_228 = tpu.memref_slice %arg9[%dma_start3A_226, %dma_start3A_227] : memref<10240x8xf32, #tpu.memory_space<vmem>> -> memref<1280x8xf32, #tpu.memory_space<vmem>>
    %dma_start3A_229 = arith.constant 0 : i32
    %dma_start3A_230 = tpu.memref_slice %arg8[%dma_start3A_225, %dma_start3A_229] : memref<8x1280xi32, #tpu.memory_space<vmem>> -> memref<1x1280xi32, #tpu.memory_space<vmem>>
    %dma_start3A_231 = tpu.memref_squeeze %dma_start3A_230 : memref<1x1280xi32, #tpu.memory_space<vmem>> -> memref<1280xi32, #tpu.memory_space<vmem>>
    %dma_start3A_232 = arith.constant 0 : i32
    %dma_start3A_233 = arith.constant 0 : i32
    %dma_start3A_234 = tpu.memref_slice %arg11[%dma_start3A_232, %dma_start3A_233] : memref<10240x8xf32, #tpu.memory_space<vmem_shared>> -> memref<10240x8xf32, #tpu.memory_space<vmem_shared>>
    tpu.enqueue_indirect_dma source(%dma_start3A_228 : memref<1280x8xf32, #tpu.memory_space<vmem>>) target(%dma_start3A_234 : memref<10240x8xf32, #tpu.memory_space<vmem_shared>>) offsets(%dma_start3A_231 : memref<1280xi32, #tpu.memory_space<vmem>>) semaphore(%arg13 : memref<!tpu.dma_semaphore, #tpu.memory_space<semaphore_mem>>) {add = true}
    %dma_start3A_235 = arith.constant 7 : i32
    %dma_start3A_236 = arith.constant 8960 : i32
    %dma_start3A_237 = arith.constant 0 : i32
    %dma_start3A_238 = tpu.memref_slice %arg9[%dma_start3A_236, %dma_start3A_237] : memref<10240x8xf32, #tpu.memory_space<vmem>> -> memref<1280x8xf32, #tpu.memory_space<vmem>>
    %dma_start3A_239 = arith.constant 0 : i32
    %dma_start3A_240 = tpu.memref_slice %arg8[%dma_start3A_235, %dma_start3A_239] : memref<8x1280xi32, #tpu.memory_space<vmem>> -> memref<1x1280xi32, #tpu.memory_space<vmem>>
    %dma_start3A_241 = tpu.memref_squeeze %dma_start3A_240 : memref<1x1280xi32, #tpu.memory_space<vmem>> -> memref<1280xi32, #tpu.memory_space<vmem>>
    %dma_start3A_242 = arith.constant 0 : i32
    %dma_start3A_243 = arith.constant 0 : i32
    %dma_start3A_244 = tpu.memref_slice %arg11[%dma_start3A_242, %dma_start3A_243] : memref<10240x8xf32, #tpu.memory_space<vmem_shared>> -> memref<10240x8xf32, #tpu.memory_space<vmem_shared>>
    tpu.enqueue_indirect_dma source(%dma_start3A_238 : memref<1280x8xf32, #tpu.memory_space<vmem>>) target(%dma_start3A_244 : memref<10240x8xf32, #tpu.memory_space<vmem_shared>>) offsets(%dma_start3A_241 : memref<1280xi32, #tpu.memory_space<vmem>>) semaphore(%arg13 : memref<!tpu.dma_semaphore, #tpu.memory_space<semaphore_mem>>) {add = true}
    %dma_wait3A_245 = arith.constant 0 : i32
    %dma_wait3A_246 = arith.constant 0 : i32
    %dma_wait3A_247 = arith.constant 0 : i32
    %dma_wait3A_248 = tpu.memref_slice %arg9[%dma_wait3A_246, %dma_wait3A_247] : memref<10240x8xf32, #tpu.memory_space<vmem>> -> memref<1280x8xf32, #tpu.memory_space<vmem>>
    %dma_wait3A_249 = arith.constant 0 : i32
    %dma_wait3A_250 = tpu.memref_slice %arg8[%dma_wait3A_245, %dma_wait3A_249] : memref<8x1280xi32, #tpu.memory_space<vmem>> -> memref<1x1280xi32, #tpu.memory_space<vmem>>
    %dma_wait3A_251 = tpu.memref_squeeze %dma_wait3A_250 : memref<1x1280xi32, #tpu.memory_space<vmem>> -> memref<1280xi32, #tpu.memory_space<vmem>>
    %dma_wait3A_252 = arith.constant 0 : i32
    %dma_wait3A_253 = arith.constant 0 : i32
    %dma_wait3A_254 = tpu.memref_slice %arg11[%dma_wait3A_252, %dma_wait3A_253] : memref<10240x8xf32, #tpu.memory_space<vmem_shared>> -> memref<10240x8xf32, #tpu.memory_space<vmem_shared>>
    tpu.wait_indirect_dma semaphore(%arg13 : memref<!tpu.dma_semaphore, #tpu.memory_space<semaphore_mem>>) src(%dma_wait3A_248 : memref<1280x8xf32, #tpu.memory_space<vmem>>) dst(%dma_wait3A_254 : memref<10240x8xf32, #tpu.memory_space<vmem_shared>>)
    %dma_wait3A_255 = arith.constant 1 : i32
    %dma_wait3A_256 = arith.constant 1280 : i32
    %dma_wait3A_257 = arith.constant 0 : i32
    %dma_wait3A_258 = tpu.memref_slice %arg9[%dma_wait3A_256, %dma_wait3A_257] : memref<10240x8xf32, #tpu.memory_space<vmem>> -> memref<1280x8xf32, #tpu.memory_space<vmem>>
    %dma_wait3A_259 = arith.constant 0 : i32
    %dma_wait3A_260 = tpu.memref_slice %arg8[%dma_wait3A_255, %dma_wait3A_259] : memref<8x1280xi32, #tpu.memory_space<vmem>> -> memref<1x1280xi32, #tpu.memory_space<vmem>>
    %dma_wait3A_261 = tpu.memref_squeeze %dma_wait3A_260 : memref<1x1280xi32, #tpu.memory_space<vmem>> -> memref<1280xi32, #tpu.memory_space<vmem>>
    %dma_wait3A_262 = arith.constant 0 : i32
    %dma_wait3A_263 = arith.constant 0 : i32
    %dma_wait3A_264 = tpu.memref_slice %arg11[%dma_wait3A_262, %dma_wait3A_263] : memref<10240x8xf32, #tpu.memory_space<vmem_shared>> -> memref<10240x8xf32, #tpu.memory_space<vmem_shared>>
    tpu.wait_indirect_dma semaphore(%arg13 : memref<!tpu.dma_semaphore, #tpu.memory_space<semaphore_mem>>) src(%dma_wait3A_258 : memref<1280x8xf32, #tpu.memory_space<vmem>>) dst(%dma_wait3A_264 : memref<10240x8xf32, #tpu.memory_space<vmem_shared>>)
    %dma_wait3A_265 = arith.constant 2 : i32
    %dma_wait3A_266 = arith.constant 2560 : i32
    %dma_wait3A_267 = arith.constant 0 : i32
    %dma_wait3A_268 = tpu.memref_slice %arg9[%dma_wait3A_266, %dma_wait3A_267] : memref<10240x8xf32, #tpu.memory_space<vmem>> -> memref<1280x8xf32, #tpu.memory_space<vmem>>
    %dma_wait3A_269 = arith.constant 0 : i32
    %dma_wait3A_270 = tpu.memref_slice %arg8[%dma_wait3A_265, %dma_wait3A_269] : memref<8x1280xi32, #tpu.memory_space<vmem>> -> memref<1x1280xi32, #tpu.memory_space<vmem>>
    %dma_wait3A_271 = tpu.memref_squeeze %dma_wait3A_270 : memref<1x1280xi32, #tpu.memory_space<vmem>> -> memref<1280xi32, #tpu.memory_space<vmem>>
    %dma_wait3A_272 = arith.constant 0 : i32
    %dma_wait3A_273 = arith.constant 0 : i32
    %dma_wait3A_274 = tpu.memref_slice %arg11[%dma_wait3A_272, %dma_wait3A_273] : memref<10240x8xf32, #tpu.memory_space<vmem_shared>> -> memref<10240x8xf32, #tpu.memory_space<vmem_shared>>
    tpu.wait_indirect_dma semaphore(%arg13 : memref<!tpu.dma_semaphore, #tpu.memory_space<semaphore_mem>>) src(%dma_wait3A_268 : memref<1280x8xf32, #tpu.memory_space<vmem>>) dst(%dma_wait3A_274 : memref<10240x8xf32, #tpu.memory_space<vmem_shared>>)
    %dma_wait3A_275 = arith.constant 3 : i32
    %dma_wait3A_276 = arith.constant 3840 : i32
    %dma_wait3A_277 = arith.constant 0 : i32
    %dma_wait3A_278 = tpu.memref_slice %arg9[%dma_wait3A_276, %dma_wait3A_277] : memref<10240x8xf32, #tpu.memory_space<vmem>> -> memref<1280x8xf32, #tpu.memory_space<vmem>>
    %dma_wait3A_279 = arith.constant 0 : i32
    %dma_wait3A_280 = tpu.memref_slice %arg8[%dma_wait3A_275, %dma_wait3A_279] : memref<8x1280xi32, #tpu.memory_space<vmem>> -> memref<1x1280xi32, #tpu.memory_space<vmem>>
    %dma_wait3A_281 = tpu.memref_squeeze %dma_wait3A_280 : memref<1x1280xi32, #tpu.memory_space<vmem>> -> memref<1280xi32, #tpu.memory_space<vmem>>
    %dma_wait3A_282 = arith.constant 0 : i32
    %dma_wait3A_283 = arith.constant 0 : i32
    %dma_wait3A_284 = tpu.memref_slice %arg11[%dma_wait3A_282, %dma_wait3A_283] : memref<10240x8xf32, #tpu.memory_space<vmem_shared>> -> memref<10240x8xf32, #tpu.memory_space<vmem_shared>>
    tpu.wait_indirect_dma semaphore(%arg13 : memref<!tpu.dma_semaphore, #tpu.memory_space<semaphore_mem>>) src(%dma_wait3A_278 : memref<1280x8xf32, #tpu.memory_space<vmem>>) dst(%dma_wait3A_284 : memref<10240x8xf32, #tpu.memory_space<vmem_shared>>)
    %dma_wait3A_285 = arith.constant 4 : i32
    %dma_wait3A_286 = arith.constant 5120 : i32
    %dma_wait3A_287 = arith.constant 0 : i32
    %dma_wait3A_288 = tpu.memref_slice %arg9[%dma_wait3A_286, %dma_wait3A_287] : memref<10240x8xf32, #tpu.memory_space<vmem>> -> memref<1280x8xf32, #tpu.memory_space<vmem>>
    %dma_wait3A_289 = arith.constant 0 : i32
    %dma_wait3A_290 = tpu.memref_slice %arg8[%dma_wait3A_285, %dma_wait3A_289] : memref<8x1280xi32, #tpu.memory_space<vmem>> -> memref<1x1280xi32, #tpu.memory_space<vmem>>
    %dma_wait3A_291 = tpu.memref_squeeze %dma_wait3A_290 : memref<1x1280xi32, #tpu.memory_space<vmem>> -> memref<1280xi32, #tpu.memory_space<vmem>>
    %dma_wait3A_292 = arith.constant 0 : i32
    %dma_wait3A_293 = arith.constant 0 : i32
    %dma_wait3A_294 = tpu.memref_slice %arg11[%dma_wait3A_292, %dma_wait3A_293] : memref<10240x8xf32, #tpu.memory_space<vmem_shared>> -> memref<10240x8xf32, #tpu.memory_space<vmem_shared>>
    tpu.wait_indirect_dma semaphore(%arg13 : memref<!tpu.dma_semaphore, #tpu.memory_space<semaphore_mem>>) src(%dma_wait3A_288 : memref<1280x8xf32, #tpu.memory_space<vmem>>) dst(%dma_wait3A_294 : memref<10240x8xf32, #tpu.memory_space<vmem_shared>>)
    %dma_wait3A_295 = arith.constant 5 : i32
    %dma_wait3A_296 = arith.constant 6400 : i32
    %dma_wait3A_297 = arith.constant 0 : i32
    %dma_wait3A_298 = tpu.memref_slice %arg9[%dma_wait3A_296, %dma_wait3A_297] : memref<10240x8xf32, #tpu.memory_space<vmem>> -> memref<1280x8xf32, #tpu.memory_space<vmem>>
    %dma_wait3A_299 = arith.constant 0 : i32
    %dma_wait3A_300 = tpu.memref_slice %arg8[%dma_wait3A_295, %dma_wait3A_299] : memref<8x1280xi32, #tpu.memory_space<vmem>> -> memref<1x1280xi32, #tpu.memory_space<vmem>>
    %dma_wait3A_301 = tpu.memref_squeeze %dma_wait3A_300 : memref<1x1280xi32, #tpu.memory_space<vmem>> -> memref<1280xi32, #tpu.memory_space<vmem>>
    %dma_wait3A_302 = arith.constant 0 : i32
    %dma_wait3A_303 = arith.constant 0 : i32
    %dma_wait3A_304 = tpu.memref_slice %arg11[%dma_wait3A_302, %dma_wait3A_303] : memref<10240x8xf32, #tpu.memory_space<vmem_shared>> -> memref<10240x8xf32, #tpu.memory_space<vmem_shared>>
    tpu.wait_indirect_dma semaphore(%arg13 : memref<!tpu.dma_semaphore, #tpu.memory_space<semaphore_mem>>) src(%dma_wait3A_298 : memref<1280x8xf32, #tpu.memory_space<vmem>>) dst(%dma_wait3A_304 : memref<10240x8xf32, #tpu.memory_space<vmem_shared>>)
    %dma_wait3A_305 = arith.constant 6 : i32
    %dma_wait3A_306 = arith.constant 7680 : i32
    %dma_wait3A_307 = arith.constant 0 : i32
    %dma_wait3A_308 = tpu.memref_slice %arg9[%dma_wait3A_306, %dma_wait3A_307] : memref<10240x8xf32, #tpu.memory_space<vmem>> -> memref<1280x8xf32, #tpu.memory_space<vmem>>
    %dma_wait3A_309 = arith.constant 0 : i32
    %dma_wait3A_310 = tpu.memref_slice %arg8[%dma_wait3A_305, %dma_wait3A_309] : memref<8x1280xi32, #tpu.memory_space<vmem>> -> memref<1x1280xi32, #tpu.memory_space<vmem>>
    %dma_wait3A_311 = tpu.memref_squeeze %dma_wait3A_310 : memref<1x1280xi32, #tpu.memory_space<vmem>> -> memref<1280xi32, #tpu.memory_space<vmem>>
    %dma_wait3A_312 = arith.constant 0 : i32
    %dma_wait3A_313 = arith.constant 0 : i32
    %dma_wait3A_314 = tpu.memref_slice %arg11[%dma_wait3A_312, %dma_wait3A_313] : memref<10240x8xf32, #tpu.memory_space<vmem_shared>> -> memref<10240x8xf32, #tpu.memory_space<vmem_shared>>
    tpu.wait_indirect_dma semaphore(%arg13 : memref<!tpu.dma_semaphore, #tpu.memory_space<semaphore_mem>>) src(%dma_wait3A_308 : memref<1280x8xf32, #tpu.memory_space<vmem>>) dst(%dma_wait3A_314 : memref<10240x8xf32, #tpu.memory_space<vmem_shared>>)
    %dma_wait3A_315 = arith.constant 7 : i32
    %dma_wait3A_316 = arith.constant 8960 : i32
    %dma_wait3A_317 = arith.constant 0 : i32
    %dma_wait3A_318 = tpu.memref_slice %arg9[%dma_wait3A_316, %dma_wait3A_317] : memref<10240x8xf32, #tpu.memory_space<vmem>> -> memref<1280x8xf32, #tpu.memory_space<vmem>>
    %dma_wait3A_319 = arith.constant 0 : i32
    %dma_wait3A_320 = tpu.memref_slice %arg8[%dma_wait3A_315, %dma_wait3A_319] : memref<8x1280xi32, #tpu.memory_space<vmem>> -> memref<1x1280xi32, #tpu.memory_space<vmem>>
    %dma_wait3A_321 = tpu.memref_squeeze %dma_wait3A_320 : memref<1x1280xi32, #tpu.memory_space<vmem>> -> memref<1280xi32, #tpu.memory_space<vmem>>
    %dma_wait3A_322 = arith.constant 0 : i32
    %dma_wait3A_323 = arith.constant 0 : i32
    %dma_wait3A_324 = tpu.memref_slice %arg11[%dma_wait3A_322, %dma_wait3A_323] : memref<10240x8xf32, #tpu.memory_space<vmem_shared>> -> memref<10240x8xf32, #tpu.memory_space<vmem_shared>>
    tpu.wait_indirect_dma semaphore(%arg13 : memref<!tpu.dma_semaphore, #tpu.memory_space<semaphore_mem>>) src(%dma_wait3A_318 : memref<1280x8xf32, #tpu.memory_space<vmem>>) dst(%dma_wait3A_324 : memref<10240x8xf32, #tpu.memory_space<vmem_shared>>)
    %barrier3A_325 = arith.constant 0 : index
    tpu.barrier barrier_id(%barrier3A_325)
    "tpu.region"() ({
      %run_scoped3A = tpu.sem_alloc : memref<!tpu.dma_semaphore, #tpu.memory_space<semaphore_mem>>
      %dma_start3A_326 = arith.constant 0 : i32
      %dma_start3A_327 = tpu.memref_slice %arg6[%arg0, %mul3A_2, %dma_start3A_326] : memref<2x10240x8xf32, #tpu.memory_space<hbm>> -> memref<1x640x8xf32, #tpu.memory_space<hbm>>
      %dma_start3A_328 = tpu.memref_squeeze %dma_start3A_327 : memref<1x640x8xf32, #tpu.memory_space<hbm>> -> memref<640x8xf32, #tpu.memory_space<hbm>>
      %dma_start3A_329 = arith.constant 0 : i32
      %dma_start3A_330 = tpu.memref_slice %arg11[%mul3A_2, %dma_start3A_329] : memref<10240x8xf32, #tpu.memory_space<vmem_shared>> -> memref<640x8xf32, #tpu.memory_space<vmem_shared>>
      tpu.enqueue_dma source(%dma_start3A_330 : memref<640x8xf32, #tpu.memory_space<vmem_shared>>) target(%dma_start3A_328 : memref<640x8xf32, #tpu.memory_space<hbm>>) target_semaphore(%run_scoped3A : memref<!tpu.dma_semaphore, #tpu.memory_space<semaphore_mem>>)
      %dma_wait3A_331 = arith.constant 0 : i32
      %dma_wait3A_332 = tpu.memref_slice %arg6[%arg0, %mul3A_2, %dma_wait3A_331] : memref<2x10240x8xf32, #tpu.memory_space<hbm>> -> memref<1x640x8xf32, #tpu.memory_space<hbm>>
      %dma_wait3A_333 = tpu.memref_squeeze %dma_wait3A_332 : memref<1x640x8xf32, #tpu.memory_space<hbm>> -> memref<640x8xf32, #tpu.memory_space<hbm>>
      %dma_wait3A_334 = arith.constant 0 : i32
      %dma_wait3A_335 = tpu.memref_slice %arg11[%mul3A_2, %dma_wait3A_334] : memref<10240x8xf32, #tpu.memory_space<vmem_shared>> -> memref<640x8xf32, #tpu.memory_space<vmem_shared>>
      tpu.wait_dma2 semaphore(%run_scoped3A : memref<!tpu.dma_semaphore, #tpu.memory_space<semaphore_mem>>) src(%dma_wait3A_335 : memref<640x8xf32, #tpu.memory_space<vmem_shared>>) dst(%dma_wait3A_333 : memref<640x8xf32, #tpu.memory_space<hbm>>)
      tpu.yield
    }) : () -> ()
    return
  }
}

module attributes {stable_mosaic.version = 14 : i64} {
  func.func @_msg_body(%arg0: i32, %arg1: memref<2000x128xf32, #tpu.memory_space<vmem>>, %arg2: memref<128x32xf32, #tpu.memory_space<vmem>>, %arg3: memref<1x32xf32, #tpu.memory_space<vmem>>, %arg4: memref<32x32xf32, #tpu.memory_space<vmem>>, %arg5: memref<1x32xf32, #tpu.memory_space<vmem>>, %arg6: memref<128x256xf32, #tpu.memory_space<vmem>>, %arg7: memref<128x8xf32, #tpu.memory_space<vmem>>, %arg8: memref<128x8xf32, #tpu.memory_space<vmem>>, %arg9: memref<1x8xf32, #tpu.memory_space<vmem>>, %arg10: memref<2000x8xf32, #tpu.memory_space<vmem>>, %arg11: memref<2000x8xf32, #tpu.memory_space<vmem>>) attributes {dimension_semantics = [#tpu.dimension_semantics<arbitrary>], iteration_bounds = array<i64: 5>, scalar_prefetch = 0 : i64, scratch_operands = 0 : i64, tpu.core_type = #tpu.core_type<tc>, window_params = [{transform_indices = @transform_0, window_bounds = array<i64: 2000, 128>}, {pipeline_mode = #tpu.pipeline_mode<synchronous>, transform_indices = @transform_1, window_bounds = array<i64: 128, 32>}, {pipeline_mode = #tpu.pipeline_mode<synchronous>, transform_indices = @transform_2, window_bounds = array<i64: 1, 32>}, {pipeline_mode = #tpu.pipeline_mode<synchronous>, transform_indices = @transform_3, window_bounds = array<i64: 32, 32>}, {pipeline_mode = #tpu.pipeline_mode<synchronous>, transform_indices = @transform_4, window_bounds = array<i64: 1, 32>}, {pipeline_mode = #tpu.pipeline_mode<synchronous>, transform_indices = @transform_5, window_bounds = array<i64: 128, 256>}, {pipeline_mode = #tpu.pipeline_mode<synchronous>, transform_indices = @transform_6, window_bounds = array<i64: 128, 8>}, {pipeline_mode = #tpu.pipeline_mode<synchronous>, transform_indices = @transform_7, window_bounds = array<i64: 128, 8>}, {pipeline_mode = #tpu.pipeline_mode<synchronous>, transform_indices = @transform_8, window_bounds = array<i64: 1, 8>}, {transform_indices = @transform_9, window_bounds = array<i64: 2000, 8>}, {transform_indices = @transform_10, window_bounds = array<i64: 2000, 8>}]} {
    %get3A = arith.constant 0 : index
    %get3A_0 = arith.constant 0 : index
    %get3A_1 = vector.load %arg1[%get3A, %get3A_0] : memref<2000x128xf32, #tpu.memory_space<vmem>>, vector<2000x128xf32>
    %get3A_2 = arith.constant 0 : index
    %get3A_3 = arith.constant 0 : index
    %get3A_4 = vector.load %arg2[%get3A_2, %get3A_3] : memref<128x32xf32, #tpu.memory_space<vmem>>, vector<128x32xf32>
    %dot_general3A = arith.constant dense<0.000000e+00> : vector<2000x32xf32>
    %dot_general3A_5 = tpu.matmul %get3A_1, %get3A_4, %dot_general3A {dimension_numbers = #tpu.dot_dimension_numbers<[1], [0], [0], [1], [0, 0, 1, 1], [], []>, precision = #tpu.contract_precision<fp32>, transpose_lhs_hint = false} : vector<2000x128xf32>, vector<128x32xf32>, vector<2000x32xf32> -> vector<2000x32xf32>
    %get3A_6 = arith.constant 0 : index
    %get3A_7 = arith.constant 0 : index
    %get3A_8 = vector.load %arg3[%get3A_6, %get3A_7] : memref<1x32xf32, #tpu.memory_space<vmem>>, vector<1x32xf32>
    %add3A = vector.broadcast %get3A_8 : vector<1x32xf32> to vector<2000x32xf32>
    %add3A_9 = arith.addf %dot_general3A_5, %add3A : vector<2000x32xf32>
    %max3A = arith.constant 0.000000e+00 : f32
    %max3A_10 = vector.broadcast %max3A : f32 to vector<2000x32xf32>
    %max3A_11 = arith.maximumf %add3A_9, %max3A_10 : vector<2000x32xf32>
    %get3A_12 = arith.constant 0 : index
    %get3A_13 = arith.constant 0 : index
    %get3A_14 = vector.load %arg4[%get3A_12, %get3A_13] : memref<32x32xf32, #tpu.memory_space<vmem>>, vector<32x32xf32>
    %dot_general3A_15 = arith.constant dense<0.000000e+00> : vector<2000x32xf32>
    %dot_general3A_16 = tpu.matmul %max3A_11, %get3A_14, %dot_general3A_15 {dimension_numbers = #tpu.dot_dimension_numbers<[1], [0], [0], [1], [0, 0, 1, 1], [], []>, precision = #tpu.contract_precision<fp32>, transpose_lhs_hint = false} : vector<2000x32xf32>, vector<32x32xf32>, vector<2000x32xf32> -> vector<2000x32xf32>
    %get3A_17 = arith.constant 0 : index
    %get3A_18 = arith.constant 0 : index
    %get3A_19 = vector.load %arg5[%get3A_17, %get3A_18] : memref<1x32xf32, #tpu.memory_space<vmem>>, vector<1x32xf32>
    %add3A_20 = vector.broadcast %get3A_19 : vector<1x32xf32> to vector<2000x32xf32>
    %add3A_21 = arith.addf %dot_general3A_16, %add3A_20 : vector<2000x32xf32>
    %max3A_22 = arith.constant 0.000000e+00 : f32
    %max3A_23 = vector.broadcast %max3A_22 : f32 to vector<2000x32xf32>
    %max3A_24 = arith.maximumf %add3A_21, %max3A_23 : vector<2000x32xf32>
    %get3A_25 = arith.constant 0 : index
    %get3A_26 = arith.constant 0 : index
    %get3A_27 = vector.load %arg6[%get3A_25, %get3A_26] : memref<128x256xf32, #tpu.memory_space<vmem>>, vector<128x256xf32>
    %dot_general3A_28 = arith.constant dense<0.000000e+00> : vector<2000x256xf32>
    %dot_general3A_29 = tpu.matmul %get3A_1, %get3A_27, %dot_general3A_28 {dimension_numbers = #tpu.dot_dimension_numbers<[1], [0], [0], [1], [0, 0, 1, 1], [], []>, precision = #tpu.contract_precision<fp32>, transpose_lhs_hint = false} : vector<2000x128xf32>, vector<128x256xf32>, vector<2000x256xf32> -> vector<2000x256xf32>
    %iota3A = tpu.iota {dimensions = array<i32: 1>} : vector<32x256xi32>
    %iota3A_30 = tpu.iota {dimensions = array<i32: 0>} : vector<32x256xi32>
    %jit3A = arith.constant 8 : i32
    %div3A = vector.broadcast %jit3A : i32 to vector<32x256xi32>
    %div3A_31 = arith.divsi %iota3A, %div3A : vector<32x256xi32>
    %sign3A = arith.constant 0 : i32
    %sign3A_32 = vector.broadcast %sign3A : i32 to vector<32x256xi32>
    %sign3A_33 = arith.cmpi sgt, %iota3A, %sign3A_32 : vector<32x256xi32>
    %sign3A_34 = arith.extui %sign3A_33 : vector<32x256xi1> to vector<32x256xi32>
    %sign3A_35 = arith.constant 0 : i32
    %sign3A_36 = vector.broadcast %sign3A_35 : i32 to vector<32x256xi32>
    %sign3A_37 = arith.cmpi slt, %iota3A, %sign3A_36 : vector<32x256xi32>
    %sign3A_38 = arith.extui %sign3A_37 : vector<32x256xi1> to vector<32x256xi32>
    %sign3A_39 = arith.subi %sign3A_34, %sign3A_38 : vector<32x256xi32>
    %sign3A_40 = arith.constant 0 : i32
    %sign3A_41 = arith.cmpi sgt, %jit3A, %sign3A_40 : i32
    %sign3A_42 = arith.extui %sign3A_41 : i1 to i32
    %sign3A_43 = arith.constant 0 : i32
    %sign3A_44 = arith.cmpi slt, %jit3A, %sign3A_43 : i32
    %sign3A_45 = arith.extui %sign3A_44 : i1 to i32
    %sign3A_46 = arith.subi %sign3A_42, %sign3A_45 : i32
    %ne3A = vector.broadcast %sign3A_46 : i32 to vector<32x256xi32>
    %ne3A_47 = arith.cmpi ne, %sign3A_39, %ne3A : vector<32x256xi32>
    %rem3A = vector.broadcast %jit3A : i32 to vector<32x256xi32>
    %rem3A_48 = arith.remsi %iota3A, %rem3A : vector<32x256xi32>
    %ne3A_49 = arith.constant 0 : i32
    %ne3A_50 = vector.broadcast %ne3A_49 : i32 to vector<32x256xi32>
    %ne3A_51 = arith.cmpi ne, %rem3A_48, %ne3A_50 : vector<32x256xi32>
    %and3A = arith.andi %ne3A_47, %ne3A_51 : vector<32x256xi1>
    %sub3A = arith.constant 1 : i32
    %sub3A_52 = vector.broadcast %sub3A : i32 to vector<32x256xi32>
    %sub3A_53 = arith.subi %div3A_31, %sub3A_52 : vector<32x256xi32>
    %select_n3A = arith.select %and3A, %sub3A_53, %div3A_31 : vector<32x256xi1>, vector<32x256xi32>
    %eq3A = arith.cmpi eq, %select_n3A, %iota3A_30 : vector<32x256xi32>
    %convert_element_type3A = arith.extui %eq3A : vector<32x256xi1> to vector<32x256xi32>
    %convert_element_type3A_54 = arith.sitofp %convert_element_type3A : vector<32x256xi32> to vector<32x256xf32>
    %iota3A_55 = tpu.iota {dimensions = array<i32: 0>} : vector<256x8xi32>
    %iota3A_56 = tpu.iota {dimensions = array<i32: 1>} : vector<256x8xi32>
    %jit3A_57 = arith.constant 8 : i32
    %eq3A_58 = arith.constant 0 : i32
    %eq3A_59 = arith.cmpi eq, %jit3A_57, %eq3A_58 : i32
    %jit3A_60 = arith.constant 1 : i32
    %select_n3A_61 = arith.select %eq3A_59, %jit3A_60, %jit3A_57 : i32
    %rem3A_62 = vector.broadcast %select_n3A_61 : i32 to vector<256x8xi32>
    %rem3A_63 = arith.remsi %iota3A_55, %rem3A_62 : vector<256x8xi32>
    %ne3A_64 = arith.constant 0 : i32
    %ne3A_65 = vector.broadcast %ne3A_64 : i32 to vector<256x8xi32>
    %ne3A_66 = arith.cmpi ne, %rem3A_63, %ne3A_65 : vector<256x8xi32>
    %lt3A = arith.constant 0 : i32
    %lt3A_67 = vector.broadcast %lt3A : i32 to vector<256x8xi32>
    %lt3A_68 = arith.cmpi slt, %rem3A_63, %lt3A_67 : vector<256x8xi32>
    %lt3A_69 = arith.constant 0 : i32
    %lt3A_70 = arith.cmpi slt, %select_n3A_61, %lt3A_69 : i32
    %ne3A_71 = vector.broadcast %lt3A_70 : i1 to vector<256x8xi1>
    %ne3A_72 = vector.broadcast %ne3A_71 : vector<256x8xi1> to vector<256x8xi1>
    %ne3A_73 = arith.xori %lt3A_68, %ne3A_72 : vector<256x8xi1>
    %and3A_74 = arith.andi %ne3A_73, %ne3A_66 : vector<256x8xi1>
    %add3A_75 = vector.broadcast %select_n3A_61 : i32 to vector<256x8xi32>
    %add3A_76 = arith.addi %rem3A_63, %add3A_75 : vector<256x8xi32>
    %select_n3A_77 = arith.select %and3A_74, %add3A_76, %rem3A_63 : vector<256x8xi1>, vector<256x8xi32>
    %eq3A_78 = arith.cmpi eq, %select_n3A_77, %iota3A_56 : vector<256x8xi32>
    %convert_element_type3A_79 = arith.extui %eq3A_78 : vector<256x8xi1> to vector<256x8xi32>
    %convert_element_type3A_80 = arith.sitofp %convert_element_type3A_79 : vector<256x8xi32> to vector<256x8xf32>
    %dot_general3A_81 = arith.constant dense<0.000000e+00> : vector<2000x256xf32>
    %dot_general3A_82 = tpu.matmul %max3A_24, %convert_element_type3A_54, %dot_general3A_81 {dimension_numbers = #tpu.dot_dimension_numbers<[1], [0], [0], [1], [0, 0, 1, 1], [], []>, precision = #tpu.contract_precision<fp32>, transpose_lhs_hint = false} : vector<2000x32xf32>, vector<32x256xf32>, vector<2000x256xf32> -> vector<2000x256xf32>
    %mul3A = arith.mulf %dot_general3A_82, %dot_general3A_29 : vector<2000x256xf32>
    %dot_general3A_83 = arith.constant dense<0.000000e+00> : vector<2000x8xf32>
    %dot_general3A_84 = tpu.matmul %mul3A, %convert_element_type3A_80, %dot_general3A_83 {dimension_numbers = #tpu.dot_dimension_numbers<[1], [0], [0], [1], [0, 0, 1, 1], [], []>, precision = #tpu.contract_precision<fp32>, transpose_lhs_hint = false} : vector<2000x256xf32>, vector<256x8xf32>, vector<2000x8xf32> -> vector<2000x8xf32>
    %get3A_85 = arith.constant 0 : index
    %get3A_86 = arith.constant 0 : index
    %get3A_87 = vector.load %arg7[%get3A_85, %get3A_86] : memref<128x8xf32, #tpu.memory_space<vmem>>, vector<128x8xf32>
    %dot_general3A_88 = arith.constant dense<0.000000e+00> : vector<2000x8xf32>
    %dot_general3A_89 = tpu.matmul %get3A_1, %get3A_87, %dot_general3A_88 {dimension_numbers = #tpu.dot_dimension_numbers<[1], [0], [0], [1], [0, 0, 1, 1], [], []>, precision = #tpu.contract_precision<fp32>, transpose_lhs_hint = false} : vector<2000x128xf32>, vector<128x8xf32>, vector<2000x8xf32> -> vector<2000x8xf32>
    %add3A_90 = arith.addf %dot_general3A_84, %dot_general3A_89 : vector<2000x8xf32>
    %swap3A = arith.constant 0 : index
    %swap3A_91 = arith.constant 0 : index
    %swap3A_92 = vector.load %arg10[%swap3A, %swap3A_91] : memref<2000x8xf32, #tpu.memory_space<vmem>>, vector<2000x8xf32>
    tpu.vector_store %arg10[%swap3A, %swap3A_91], %add3A_90 {strides = array<i32>} : memref<2000x8xf32, #tpu.memory_space<vmem>>, vector<2000x8xf32>,
    %get3A_93 = arith.constant 0 : index
    %get3A_94 = arith.constant 0 : index
    %get3A_95 = vector.load %arg8[%get3A_93, %get3A_94] : memref<128x8xf32, #tpu.memory_space<vmem>>, vector<128x8xf32>
    %dot_general3A_96 = arith.constant dense<0.000000e+00> : vector<2000x8xf32>
    %dot_general3A_97 = tpu.matmul %get3A_1, %get3A_95, %dot_general3A_96 {dimension_numbers = #tpu.dot_dimension_numbers<[1], [0], [0], [1], [0, 0, 1, 1], [], []>, precision = #tpu.contract_precision<fp32>, transpose_lhs_hint = false} : vector<2000x128xf32>, vector<128x8xf32>, vector<2000x8xf32> -> vector<2000x8xf32>
    %get3A_98 = arith.constant 0 : index
    %get3A_99 = arith.constant 0 : index
    %get3A_100 = vector.load %arg9[%get3A_98, %get3A_99] : memref<1x8xf32, #tpu.memory_space<vmem>>, vector<1x8xf32>
    %add3A_101 = vector.broadcast %get3A_100 : vector<1x8xf32> to vector<2000x8xf32>
    %add3A_102 = arith.addf %dot_general3A_97, %add3A_101 : vector<2000x8xf32>
    %swap3A_103 = arith.constant 0 : index
    %swap3A_104 = arith.constant 0 : index
    %swap3A_105 = vector.load %arg11[%swap3A_103, %swap3A_104] : memref<2000x8xf32, #tpu.memory_space<vmem>>, vector<2000x8xf32>
    tpu.vector_store %arg11[%swap3A_103, %swap3A_104], %add3A_102 {strides = array<i32>} : memref<2000x8xf32, #tpu.memory_space<vmem>>, vector<2000x8xf32>,
    return
  }
  func.func @transform_0(%arg0: i32) -> (i32, i32) {
    %c0_i32 = arith.constant 0 : i32
    %c0_i32_0 = arith.constant 0 : i32
    return %arg0, %c0_i32 : i32, i32
  }
  func.func @transform_1(%arg0: i32) -> (i32, i32) {
    %c0_i32 = arith.constant 0 : i32
    %c0_i32_0 = arith.constant 0 : i32
    %c0_i32_1 = arith.constant 0 : i32
    return %c0_i32, %c0_i32_0 : i32, i32
  }
  func.func @transform_2(%arg0: i32) -> (i32, i32) {
    %c0_i32 = arith.constant 0 : i32
    %c0_i32_0 = arith.constant 0 : i32
    %c0_i32_1 = arith.constant 0 : i32
    return %c0_i32, %c0_i32_0 : i32, i32
  }
  func.func @transform_3(%arg0: i32) -> (i32, i32) {
    %c0_i32 = arith.constant 0 : i32
    %c0_i32_0 = arith.constant 0 : i32
    %c0_i32_1 = arith.constant 0 : i32
    return %c0_i32, %c0_i32_0 : i32, i32
  }
  func.func @transform_4(%arg0: i32) -> (i32, i32) {
    %c0_i32 = arith.constant 0 : i32
    %c0_i32_0 = arith.constant 0 : i32
    %c0_i32_1 = arith.constant 0 : i32
    return %c0_i32, %c0_i32_0 : i32, i32
  }
  func.func @transform_5(%arg0: i32) -> (i32, i32) {
    %c0_i32 = arith.constant 0 : i32
    %c0_i32_0 = arith.constant 0 : i32
    %c0_i32_1 = arith.constant 0 : i32
    return %c0_i32, %c0_i32_0 : i32, i32
  }
  func.func @transform_6(%arg0: i32) -> (i32, i32) {
    %c0_i32 = arith.constant 0 : i32
    %c0_i32_0 = arith.constant 0 : i32
    %c0_i32_1 = arith.constant 0 : i32
    return %c0_i32, %c0_i32_0 : i32, i32
  }
  func.func @transform_7(%arg0: i32) -> (i32, i32) {
    %c0_i32 = arith.constant 0 : i32
    %c0_i32_0 = arith.constant 0 : i32
    %c0_i32_1 = arith.constant 0 : i32
    return %c0_i32, %c0_i32_0 : i32, i32
  }
  func.func @transform_8(%arg0: i32) -> (i32, i32) {
    %c0_i32 = arith.constant 0 : i32
    %c0_i32_0 = arith.constant 0 : i32
    %c0_i32_1 = arith.constant 0 : i32
    return %c0_i32, %c0_i32_0 : i32, i32
  }
  func.func @transform_9(%arg0: i32) -> (i32, i32) {
    %c0_i32 = arith.constant 0 : i32
    %c0_i32_0 = arith.constant 0 : i32
    return %arg0, %c0_i32 : i32, i32
  }
  func.func @transform_10(%arg0: i32) -> (i32, i32) {
    %c0_i32 = arith.constant 0 : i32
    %c0_i32_0 = arith.constant 0 : i32
    return %arg0, %c0_i32 : i32, i32
  }
}

module attributes {stable_mosaic.version = 14 : i64} {
  func.func @_update_body(%arg0: i32, %arg1: memref<2000x128xf32, #tpu.memory_space<vmem>>, %arg2: memref<2x2000x8xf32, #tpu.memory_space<vmem>>, %arg3: memref<2000x8xf32, #tpu.memory_space<vmem>>, %arg4: memref<128x32xf32, #tpu.memory_space<vmem>>, %arg5: memref<8x32xf32, #tpu.memory_space<vmem>>, %arg6: memref<1x32xf32, #tpu.memory_space<vmem>>, %arg7: memref<32x32xf32, #tpu.memory_space<vmem>>, %arg8: memref<1x32xf32, #tpu.memory_space<vmem>>, %arg9: memref<32x128xf32, #tpu.memory_space<vmem>>, %arg10: memref<1x128xf32, #tpu.memory_space<vmem>>, %arg11: memref<2000x128xf32, #tpu.memory_space<vmem>>) attributes {dimension_semantics = [#tpu.dimension_semantics<arbitrary>], iteration_bounds = array<i64: 5>, scalar_prefetch = 0 : i64, scratch_operands = 0 : i64, tpu.core_type = #tpu.core_type<tc>, window_params = [{transform_indices = @transform_0, window_bounds = array<i64: 2000, 128>}, {transform_indices = @transform_1, window_bounds = array<i64: 2, 2000, 8>}, {transform_indices = @transform_2, window_bounds = array<i64: 2000, 8>}, {pipeline_mode = #tpu.pipeline_mode<synchronous>, transform_indices = @transform_3, window_bounds = array<i64: 128, 32>}, {pipeline_mode = #tpu.pipeline_mode<synchronous>, transform_indices = @transform_4, window_bounds = array<i64: 8, 32>}, {pipeline_mode = #tpu.pipeline_mode<synchronous>, transform_indices = @transform_5, window_bounds = array<i64: 1, 32>}, {pipeline_mode = #tpu.pipeline_mode<synchronous>, transform_indices = @transform_6, window_bounds = array<i64: 32, 32>}, {pipeline_mode = #tpu.pipeline_mode<synchronous>, transform_indices = @transform_7, window_bounds = array<i64: 1, 32>}, {pipeline_mode = #tpu.pipeline_mode<synchronous>, transform_indices = @transform_8, window_bounds = array<i64: 32, 128>}, {pipeline_mode = #tpu.pipeline_mode<synchronous>, transform_indices = @transform_9, window_bounds = array<i64: 1, 128>}, {transform_indices = @transform_10, window_bounds = array<i64: 2000, 128>}]} {
    %get3A = arith.constant 0 : index
    %get3A_0 = arith.constant 0 : index
    %get3A_1 = vector.load %arg1[%get3A, %get3A_0] : memref<2000x128xf32, #tpu.memory_space<vmem>>, vector<2000x128xf32>
    %get3A_2 = arith.constant 0 : index
    %get3A_3 = arith.constant 0 : index
    %get3A_4 = arith.constant 0 : index
    %get3A_5 = vector.load %arg2[%get3A_2, %get3A_3, %get3A_4] : memref<2x2000x8xf32, #tpu.memory_space<vmem>>, vector<1x2000x8xf32>
    %get3A_6 = vector.shape_cast %get3A_5 : vector<1x2000x8xf32> to vector<2000x8xf32>
    %get3A_7 = arith.constant 1 : index
    %get3A_8 = arith.constant 0 : index
    %get3A_9 = arith.constant 0 : index
    %get3A_10 = vector.load %arg2[%get3A_7, %get3A_8, %get3A_9] : memref<2x2000x8xf32, #tpu.memory_space<vmem>>, vector<1x2000x8xf32>
    %get3A_11 = vector.shape_cast %get3A_10 : vector<1x2000x8xf32> to vector<2000x8xf32>
    %add3A = arith.addf %get3A_6, %get3A_11 : vector<2000x8xf32>
    %get3A_12 = arith.constant 0 : index
    %get3A_13 = arith.constant 0 : index
    %get3A_14 = vector.load %arg3[%get3A_12, %get3A_13] : memref<2000x8xf32, #tpu.memory_space<vmem>>, vector<2000x8xf32>
    %add3A_15 = arith.addf %add3A, %get3A_14 : vector<2000x8xf32>
    %get3A_16 = arith.constant 0 : index
    %get3A_17 = arith.constant 0 : index
    %get3A_18 = vector.load %arg4[%get3A_16, %get3A_17] : memref<128x32xf32, #tpu.memory_space<vmem>>, vector<128x32xf32>
    %dot_general3A = arith.constant dense<0.000000e+00> : vector<2000x32xf32>
    %dot_general3A_19 = tpu.matmul %get3A_1, %get3A_18, %dot_general3A {dimension_numbers = #tpu.dot_dimension_numbers<[1], [0], [0], [1], [0, 0, 1, 1], [], []>, precision = #tpu.contract_precision<fp32>, transpose_lhs_hint = false} : vector<2000x128xf32>, vector<128x32xf32>, vector<2000x32xf32> -> vector<2000x32xf32>
    %get3A_20 = arith.constant 0 : index
    %get3A_21 = arith.constant 0 : index
    %get3A_22 = vector.load %arg5[%get3A_20, %get3A_21] : memref<8x32xf32, #tpu.memory_space<vmem>>, vector<8x32xf32>
    %dot_general3A_23 = arith.constant dense<0.000000e+00> : vector<2000x32xf32>
    %dot_general3A_24 = tpu.matmul %add3A_15, %get3A_22, %dot_general3A_23 {dimension_numbers = #tpu.dot_dimension_numbers<[1], [0], [0], [1], [0, 0, 1, 1], [], []>, precision = #tpu.contract_precision<fp32>, transpose_lhs_hint = false} : vector<2000x8xf32>, vector<8x32xf32>, vector<2000x32xf32> -> vector<2000x32xf32>
    %add3A_25 = arith.addf %dot_general3A_19, %dot_general3A_24 : vector<2000x32xf32>
    %get3A_26 = arith.constant 0 : index
    %get3A_27 = arith.constant 0 : index
    %get3A_28 = vector.load %arg6[%get3A_26, %get3A_27] : memref<1x32xf32, #tpu.memory_space<vmem>>, vector<1x32xf32>
    %add3A_29 = vector.broadcast %get3A_28 : vector<1x32xf32> to vector<2000x32xf32>
    %add3A_30 = arith.addf %add3A_25, %add3A_29 : vector<2000x32xf32>
    %max3A = arith.constant 0.000000e+00 : f32
    %max3A_31 = vector.broadcast %max3A : f32 to vector<2000x32xf32>
    %max3A_32 = arith.maximumf %add3A_30, %max3A_31 : vector<2000x32xf32>
    %get3A_33 = arith.constant 0 : index
    %get3A_34 = arith.constant 0 : index
    %get3A_35 = vector.load %arg7[%get3A_33, %get3A_34] : memref<32x32xf32, #tpu.memory_space<vmem>>, vector<32x32xf32>
    %dot_general3A_36 = arith.constant dense<0.000000e+00> : vector<2000x32xf32>
    %dot_general3A_37 = tpu.matmul %max3A_32, %get3A_35, %dot_general3A_36 {dimension_numbers = #tpu.dot_dimension_numbers<[1], [0], [0], [1], [0, 0, 1, 1], [], []>, precision = #tpu.contract_precision<fp32>, transpose_lhs_hint = false} : vector<2000x32xf32>, vector<32x32xf32>, vector<2000x32xf32> -> vector<2000x32xf32>
    %get3A_38 = arith.constant 0 : index
    %get3A_39 = arith.constant 0 : index
    %get3A_40 = vector.load %arg8[%get3A_38, %get3A_39] : memref<1x32xf32, #tpu.memory_space<vmem>>, vector<1x32xf32>
    %add3A_41 = vector.broadcast %get3A_40 : vector<1x32xf32> to vector<2000x32xf32>
    %add3A_42 = arith.addf %dot_general3A_37, %add3A_41 : vector<2000x32xf32>
    %max3A_43 = arith.constant 0.000000e+00 : f32
    %max3A_44 = vector.broadcast %max3A_43 : f32 to vector<2000x32xf32>
    %max3A_45 = arith.maximumf %add3A_42, %max3A_44 : vector<2000x32xf32>
    %get3A_46 = arith.constant 0 : index
    %get3A_47 = arith.constant 0 : index
    %get3A_48 = vector.load %arg9[%get3A_46, %get3A_47] : memref<32x128xf32, #tpu.memory_space<vmem>>, vector<32x128xf32>
    %dot_general3A_49 = arith.constant dense<0.000000e+00> : vector<2000x128xf32>
    %dot_general3A_50 = tpu.matmul %max3A_45, %get3A_48, %dot_general3A_49 {dimension_numbers = #tpu.dot_dimension_numbers<[1], [0], [0], [1], [0, 0, 1, 1], [], []>, precision = #tpu.contract_precision<fp32>, transpose_lhs_hint = false} : vector<2000x32xf32>, vector<32x128xf32>, vector<2000x128xf32> -> vector<2000x128xf32>
    %get3A_51 = arith.constant 0 : index
    %get3A_52 = arith.constant 0 : index
    %get3A_53 = vector.load %arg10[%get3A_51, %get3A_52] : memref<1x128xf32, #tpu.memory_space<vmem>>, vector<1x128xf32>
    %add3A_54 = vector.broadcast %get3A_53 : vector<1x128xf32> to vector<2000x128xf32>
    %add3A_55 = arith.addf %dot_general3A_50, %add3A_54 : vector<2000x128xf32>
    %swap3A = arith.constant 0 : index
    %swap3A_56 = arith.constant 0 : index
    %swap3A_57 = vector.load %arg11[%swap3A, %swap3A_56] : memref<2000x128xf32, #tpu.memory_space<vmem>>, vector<2000x128xf32>
    tpu.vector_store %arg11[%swap3A, %swap3A_56], %add3A_55 {strides = array<i32>} : memref<2000x128xf32, #tpu.memory_space<vmem>>, vector<2000x128xf32>,
    return
  }
  func.func @transform_0(%arg0: i32) -> (i32, i32) {
    %c0_i32 = arith.constant 0 : i32
    %c0_i32_0 = arith.constant 0 : i32
    return %arg0, %c0_i32 : i32, i32
  }
  func.func @transform_1(%arg0: i32) -> (i32, i32, i32) {
    %c0_i32 = arith.constant 0 : i32
    %c0_i32_0 = arith.constant 0 : i32
    %c0_i32_1 = arith.constant 0 : i32
    return %c0_i32, %arg0, %c0_i32_0 : i32, i32, i32
  }
  func.func @transform_2(%arg0: i32) -> (i32, i32) {
    %c0_i32 = arith.constant 0 : i32
    %c0_i32_0 = arith.constant 0 : i32
    return %arg0, %c0_i32 : i32, i32
  }
  func.func @transform_3(%arg0: i32) -> (i32, i32) {
    %c0_i32 = arith.constant 0 : i32
    %c0_i32_0 = arith.constant 0 : i32
    %c0_i32_1 = arith.constant 0 : i32
    return %c0_i32, %c0_i32_0 : i32, i32
  }
  func.func @transform_4(%arg0: i32) -> (i32, i32) {
    %c0_i32 = arith.constant 0 : i32
    %c0_i32_0 = arith.constant 0 : i32
    %c0_i32_1 = arith.constant 0 : i32
    return %c0_i32, %c0_i32_0 : i32, i32
  }
  func.func @transform_5(%arg0: i32) -> (i32, i32) {
    %c0_i32 = arith.constant 0 : i32
    %c0_i32_0 = arith.constant 0 : i32
    %c0_i32_1 = arith.constant 0 : i32
    return %c0_i32, %c0_i32_0 : i32, i32
  }
  func.func @transform_6(%arg0: i32) -> (i32, i32) {
    %c0_i32 = arith.constant 0 : i32
    %c0_i32_0 = arith.constant 0 : i32
    %c0_i32_1 = arith.constant 0 : i32
    return %c0_i32, %c0_i32_0 : i32, i32
  }
  func.func @transform_7(%arg0: i32) -> (i32, i32) {
    %c0_i32 = arith.constant 0 : i32
    %c0_i32_0 = arith.constant 0 : i32
    %c0_i32_1 = arith.constant 0 : i32
    return %c0_i32, %c0_i32_0 : i32, i32
  }
  func.func @transform_8(%arg0: i32) -> (i32, i32) {
    %c0_i32 = arith.constant 0 : i32
    %c0_i32_0 = arith.constant 0 : i32
    %c0_i32_1 = arith.constant 0 : i32
    return %c0_i32, %c0_i32_0 : i32, i32
  }
  func.func @transform_9(%arg0: i32) -> (i32, i32) {
    %c0_i32 = arith.constant 0 : i32
    %c0_i32_0 = arith.constant 0 : i32
    %c0_i32_1 = arith.constant 0 : i32
    return %c0_i32, %c0_i32_0 : i32, i32
  }
  func.func @transform_10(%arg0: i32) -> (i32, i32) {
    %c0_i32 = arith.constant 0 : i32
    %c0_i32_0 = arith.constant 0 : i32
    return %arg0, %c0_i32 : i32, i32
  }
}

</mosaic_0001>

<sc_bundles>
// kernel: kernel.5.cloned.1.call-start
scs
__scs_entry_jumppad:
0x0: {  	(pc) =	sbr.rel $0x88, $3  }
0x1: {  	(tag) =	ssettag $0x0;
	lr =	simm.s32 $0x1  }
0x2: {  	[smem:$0x3F91] =	sst lr;
	_ =	strace $0xD0000000  }
0x3: {  	_ = 	snop  }
0x4: {  	_ = 	snop  }
0x5: {  	_ = 	snop  }
0x6: {  	_ = 	snop  }
0x7: {  	_ = 	snop  }
__scs_overlays_trampoline_lowered:
0x8: {  	[smem:$0x3FA0] =	sst s0  }
0x9: {  	[smem:$0x3FA1] =	sst s1  }
0xa: {  	[smem:$0x3FA2] =	sst s2  }
0xb: {  	[smem:$0x3FA3] =	sst s3  }
0xc: {  	[smem:$0x3FA4] =	sst s4  }
0xd: {  	[smem:$0x3FA5] =	sst s5  }
0xe: {  	[smem:$0x3FA6] =	sst s6  }
0xf: {  	[smem:$0x3FA7] =	sst s7  }
0x10: {  	[smem:$0x3FA8] =	sst s8  }
0x11: {  	[smem:$0x3FA9] =	sst s9;
	s0 =	simm.s32 @!p0 $0x0  }
0x12: {  	s1 =	sld [smem:$0x3F8F];
	s0 =	simm.s32 @p0 $0x1  }
0x13: {  	[smem:$0x3FAA] =	sst s0;
	s0 =	simm.s32 @!p1 $0x0  }
0x14: {  	s2 =	sld [smem:$0x3F8E];
	s0 =	simm.s32 @p1 $0x1  }
0x15: {  	[smem:$0x3FAB] =	sst s0;
	s0 =	simm.s32 @!p2 $0x0  }
0x16: {  	s3 =	sld [smem:$0x3FDB];
	s0 =	simm.s32 @p2 $0x1  }
0x17: {  	s4 =	simm.s32 $0x1BF5;
	[smem:$0x3FAD] =	sst s0  }
0x18: {  	s0 =	sld [smem:$0x3F90];
	_ =	swait.ge [sflag:s4], $0x0  }
0x19: {  	s7 =	sld [smem:$0x3F91]  }
0x1a: {  	s8 =	sadd.s32 $0xFFFFE003, lr  }
0x1b: {  	s9 =	sadd.s32 $0xFFFFFEF7, lr;
	s5 =	simm.s32 $0xFFFFFFFF;
	p2 =	slt.u32 s8, $0xFFFFF086  }
0x1c: {  	p1 =	slt.u32 s9, $0xF7A;
	s5 =	simm.s32 @!p2 $0x0  }
0x1d: {  	s5 =	simm.s32 @p1 $0x1;
	p0 =	seq.s32 s7, s2  }
0x1e: {  	s7 =	smul.u32 @!p0 $0xF7A, s2;
	p2 =	seq.s32 @!p0 s5, $0x0  }
0x1f: {  	s9 =	smul.u32 $0xF7A, s1;
	s8 =	simm.s32 @!p0 $0x1BF5;
	p2 =	por !p2, p0  }
0x20: {  	[sflag:s8] =	ssyncset.s32 @!p0 $0xFFFFF086;
	s6 =	sadd.s32 @!p0 s3, s7;
	s7 =	simm.s32 @!p0 $0x108  }
0x21: {  	s3 =	sadd.s32 s3, s9;
	s6 =	sadd.s32 @!p0 $0x88, s6;
	s7 =	simm.s32 @p2 $0x1082  }
0x22: {  	[simem:s7], [sflag:s8] =	dma.local @!p0 [hbm:s6], $0xF7A  }
0x23: {  	s9 =	sor.u32 $0xD0000000, s2;
	s6 =	simm.s32 $0x108;
	_ =	swait.ge @!p0 [sflag:s8], $0x0  }
0x24: {  	s3 =	sadd.s32 $0x88, s3;
	s6 =	simm.s32 @!p1 $0x1082;
	[sflag:s4] =	ssyncset.s32 $0xFFFFF086  }
0x25: {  	[simem:s6], [sflag:s4] =	dma.local [hbm:s3], $0xF7A  }
0x26: {  	[smem:$0x3F91] =	sst s1;
	(tag) =	ssettag s2;
	_ =	strace s9  }
0x27: {  	s1 =	sld [smem:$0x3FA1]  }
0x28: {  	s2 =	sld [smem:$0x3FA2]  }
0x29: {  	s4 =	sld [smem:$0x3FA4]  }
0x2a: {  	p0 =	seq.s32 s5, $0x0;
	s5 =	sld [smem:$0x3FA5]  }
0x2b: {  	s6 =	sld [smem:$0x3FA6]  }
0x2c: {  	s7 =	sld [smem:$0x3FA7]  }
0x2d: {  	s3 =	simm.s32 $0x108;
	s8 =	sld [smem:$0x3FA8]  }
0x2e: {  	s3 =	simm.s32 @!p0 $0x1082;
	s9 =	sld [smem:$0x3FA9]  }
0x2f: {  	lr =	sadd.s32 s0, s3;
	s0 =	sld [smem:$0x3FA0]  }
0x30: {  	s3 =	sld [smem:$0x3FA3]  }
0x31: {  	[smem:$0x3FAC] =	sst s10  }
0x32: {  	s10 =	sld [smem:$0x3FAA];
	_ =	sdelay $0x3  }
0x33: {  	p0 =	seq.s32 s10, $0x1;
	s10 =	sld [smem:$0x3FAC];
	_ =	sdelay $0x3  }
0x34: {  	[smem:$0x3FAC] =	sst s10  }
0x35: {  	s10 =	sld [smem:$0x3FAB];
	_ =	sdelay $0x3  }
0x36: {  	p1 =	seq.s32 s10, $0x1;
	s10 =	sld [smem:$0x3FAC];
	_ =	sdelay $0x3  }
0x37: {  	[smem:$0x3FAC] =	sst s10  }
0x38: {  	s10 =	sld [smem:$0x3FAD]  }
0x39: {  	_ = 	snop;
	(pc) =	sbr.ind lr, $3  }
0x3a: {  	_ = 	snop  }
0x3b: {  	_ = 	snop  }
0x3c: {  	p2 =	seq.s32 s10, $0x1;
	s10 =	sld [smem:$0x3FAC]  }
0x3d: {  	_ =	shalt  }
0x3e: {  	_ =	shalt  }
0x3f: {  	_ =	shalt  }
0x40: {  	_ =	shalt  }
0x41: {  	_ =	shalt  }
0x42: {  	_ =	shalt  }
0x43: {  	_ =	shalt  }
0x44: {  	_ =	shalt  }
0x45: {  	_ =	shalt  }
0x46: {  	_ =	shalt  }
0x47: {  	_ =	shalt  }
0x48: {  	_ =	shalt  }
0x49: {  	_ =	shalt  }
0x4a: {  	_ =	shalt  }
0x4b: {  	_ =	shalt  }
0x4c: {  	_ =	shalt  }
0x4d: {  	_ =	shalt  }
0x4e: {  	_ =	shalt  }
0x4f: {  	_ =	shalt  }
0x50: {  	_ =	shalt  }
0x51: {  	_ =	shalt  }
0x52: {  	_ =	shalt  }
0x53: {  	_ =	shalt  }
0x54: {  	_ =	shalt  }
0x55: {  	_ =	shalt  }
0x56: {  	_ =	shalt  }
0x57: {  	_ =	shalt  }
0x58: {  	_ =	shalt  }
0x59: {  	_ =	shalt  }
0x5a: {  	_ =	shalt  }
0x5b: {  	_ =	shalt  }
0x5c: {  	_ =	shalt  }
0x5d: {  	_ =	shalt  }
0x5e: {  	_ =	shalt  }
0x5f: {  	_ =	shalt  }
0x60: {  	_ =	shalt  }
0x61: {  	_ =	shalt  }
0x62: {  	_ =	shalt  }
0x63: {  	_ =	shalt  }
0x64: {  	_ =	shalt  }
0x65: {  	_ =	shalt  }
0x66: {  	_ =	shalt  }
0x67: {  	_ =	shalt  }
0x68: {  	_ =	shalt  }
0x69: {  	_ =	shalt  }
0x6a: {  	_ =	shalt  }
0x6b: {  	_ =	shalt  }
0x6c: {  	_ =	shalt  }
0x6d: {  	_ =	shalt  }
0x6e: {  	_ =	shalt  }
0x6f: {  	_ =	shalt  }
0x70: {  	_ =	shalt  }
0x71: {  	_ =	shalt  }
0x72: {  	_ =	shalt  }
0x73: {  	_ =	shalt  }
0x74: {  	_ =	shalt  }
0x75: {  	_ =	shalt  }
0x76: {  	_ =	shalt  }
0x77: {  	_ =	shalt  }
0x78: {  	_ =	shalt  }
0x79: {  	_ =	shalt  }
0x7a: {  	_ =	shalt  }
0x7b: {  	_ =	shalt  }
0x7c: {  	_ =	shalt  }
0x7d: {  	_ =	shalt  }
0x7e: {  	_ =	shalt  }
0x7f: {  	_ =	shalt  }
0x80: {  	_ =	shalt  }
0x81: {  	_ =	shalt  }
0x82: {  	_ =	shalt  }
0x83: {  	_ =	shalt  }
0x84: {  	_ =	shalt  }
0x85: {  	_ =	shalt  }
0x86: {  	_ =	shalt  }
0x87: {  	_ =	shalt  }
.Lfunc_end0:
.L_simem_size_0:
called_computation_lowered:
.L_overlay_start_0:
0x88: {  	s2 =	sld [smem:$0x3FD9]  }
0x89: {  	s3 =	sld [smem:$0x3FFE];
	_ =	sdelay $0x1  }
0x8a: {  	s1 =	srdreg.scid  }
0x8b: {  	s0 =	sand.u32 $0x1, s1  }
0x8c: {  	s17 =	sshll.u32 s0, $0xA;
	s2 =	sadd.s32 s3, s2  }
0x8d: {  	s2 =	sadd.s32 s2, s17  }
0x8e: {  	[smem:$0x3FB8] =	sst s2  }
0x8f: {  	_ = 	snop  }
0x90: {  	s2 =	sld [smem:$0x3FD0];
	(tm) =	ssettm $0x1  }
0x91: {  	s18 =	sld [smem:$0x3FFB];
	_ =	sdelay $0x3  }
0x92: {  	_ =	strace s18  }
0x93: {  	s3 =	sld [smem:$0x3FFC];
	_ =	sdelay $0x3  }
0x94: {  	_ =	strace s3  }
0x95: {  	s3 =	sld [smem:$0x3FFD];
	_ =	sdelay $0x3  }
0x96: {  	_ =	strace s3  }
0x97: {  	_ =	strace $0x8FFFFFFF  }
0x98: {  	s19 =	sld [smem:$0x3FDB];
	_ =	sdelay $0x1  }
0x99: {  	s4 =	simm.s32 $_scs_section_size  }
0x9a: {  	s5 =	simm.s32 $_size__tile_overlayer_lowered;
	s6 =	simm.s32 $_tile_overlayer_lowered  }
0x9b: {  	s22 =	simm.s32 $0x1BFF;
	s21 =	sshll.u32 s6, $0x1;
	s3 =	sadd.s32 s4, s19  }
0x9c: {  	s7 =	simm.s32 $0x0;
	s20 =	sshll.u32 s5, $0x1;
	s5 =	sadd.s32 s21, s3  }
0x9d: {  	[timem:s7], [sflag:s22] =	dma.local [hbm:s5], s20  }
0x9e: {  	_ =	swait.ge [sflag:s22], s20  }
0x9f: {  	s4 =	ssub.s32 $0x0, s20;
	[sflag:s22] =	ssyncset.done $0x0  }
0xa0: {  	[sflag:s22] =	ssyncadd.s32 s4;
	_ =	sdelay $0x1  }
0xa1: {  	s23 =	simm.s32 $0x1B8B  }
0xa2: {  	_ =	swait.ge [sflag:s23], $0x1  }
0xa3: {  	[sflag:s23] =	ssyncset.done $0x0  }
0xa4: {  	s25 =	simm.s32 $0x1B8E;
	s24 =	sld [smem:$0x3FFE];
	[sflag:s23] =	ssyncadd.s32 $0xFFFFFFFF  }
0xa5: {  	s26 =	simm.s32 $execute0_lowered;
	[smem:$0x3FD2] =	sst s25  }
0xa6: {  	s5 =	sshll.u32 s26, $0x1;
	_ =	strace $0x80000046;
	[dreg:$0x1] =	wrdreg $0xFFFFFFFF  }
0xa7: {  	s28 =	simm.s32 $_size_execute0_lowered;
	s3 =	sadd.s32 s3, s5;
	[dreg:$0x0] =	wrdreg $0x0  }
0xa8: {  	s5 =	sshll.u32 s28, $0x1;
	[dreg:$0x2] =	wrdreg s3  }
0xa9: {  	[dreg:$0x3] =	wrdreg s5  }
0xaa: {  	[dreg:$0x4] =	wrdreg $0xC0  }
0xab: {  	_ =	task [dreg:s7], $0x5FFFF  }
0xac: {  	[dreg:$0x1] =	wrdreg $0xFFFFFFFF  }
0xad: {  	[dreg:$0x0] =	wrdreg $0x60  }
0xae: {  	[dreg:$0x2] =	wrdreg s24  }
0xaf: {  	[dreg:$0x3] =	wrdreg s2  }
0xb0: {  	[dreg:$0x4] =	wrdreg $0x1A3880  }
0xb1: {  	[dreg:$0x5] =	wrdreg $0x190000  }
0xb2: {  	[dreg:$0x6] =	wrdreg $0x9  }
0xb3: {  	_ =	task.clear_ibuf [dreg:s7], $0x7FFFF;
	_ =	strace $0x90000046  }
0xb4: {  	s29 =	simm.s32 $0x9;
	_ =	strace $0x80000048  }
0xb5: {  	_ =	swait.ge [sflag:s29], $0x1  }
0xb6: {  	[sflag:s29] =	ssyncadd.s32 $0xFFFFFFFF  }
0xb7: {  	_ =	strace $0x90000048  }
0xb8: {  	_ =	sfence  }
0xb9: {  	s30 =	sld [smem:$0x0];
	_ =	sdelay $0x2  }
0xba: {  	s31 =	sshll.u32 s1, $0xD;
	s1 =	sshrl.u32 s1, $0x2  }
0xbb: {  	s3 =	sand.u32 $0x4000, s31;
	s1 =	sadd.s32 s1, s30  }
0xbc: {  	s0 =	sor.u32 s3, s0;
	s1 =	sshll.u32 s1, $0x11  }
0xbd: {  	s0 =	sor.u32 s1, s0  }
0xbe: {  	s0 =	sadd.s32 $0x8F2B, s0  }
0xbf: {  	[sflag:s0] =	ssyncadd.remote.s32 $0x1  }
0xc0: {  	_ =	sfence.sel $0xFFFF  }
0xc1: {  	[dreg:$0x0] =	wrdreg $0xFFFFFFFF;
	(pc) =	sbr.abs _section_cstart, $3  }
0xc2: {  	[dreg:$0x1] =	wrdreg $0xFFFFFFFF  }
0xc3: {  	_ =	task.clear_ibuf [dreg:s7], $0x2FFFF;
	_ =	strace $0x9FFFFFFF  }
0xc4: {  	(tm) =	ssettm $0x7FFFFFFF  }
0xc5: {  	_ =	shalt  }
tec
execute0_lowered:
.L_overlay_start_1:
0x0: {  	(tag) =	ssettag $0x1  }
0x1: {  	s5 =	rddreg [dreg:$0x0]  }
0x2: {  	s6 =	rddreg [dreg:$0x1]  }
0x3: {  	s2 =	rddreg [dreg:$0x2]  }
0x4: {  	s3 =	rddreg [dreg:$0x3];
	s4 =	simm.s32 $0x0  }
0x5: {  	s1 =	stileid.u32;
	s0 =	srdreg.scid;
	s18 =	simm.s32 $0xA00  }
0x6: {  	s20 =	simm.s32 $0xF00;
	s0 =	sand.u32 $0x1, s0;
	s8 =	smul.u32 $0x1400, s1  }
0x7: {  	s7 =	sshll.u32 s1, $0x1;
	[smem:$0x7FF] =	sst s4;
	s9 =	smul.u32 $0x1388, s1  }
0x8: {  	s17 =	sshll.u32 s1, $0x6;
	_ =	strace $0x80000047;
	[dreg:$0xb] =	wrdreg s18  }
0x9: {  	s7 =	sor.u32 s0, s7;
	s12 =	smul.u32 $0x14000, s0;
	[dreg:$0xc] =	wrdreg s20  }
0xa: {  	s7 =	smul.u32 $0x500, s7;
	s10 =	sshrl.u32 s8, $0x3;
	s14 =	sadd.s32 s9, s3  }
0xb: {  	s11 =	sshrl.u32 s9, $0x3;
	s10 =	sadd.s32 s10, s5;
	s15 =	sshrl.u32 s14, $0x3  }
0xc: {  	s11 =	sadd.s32 s11, s5;
	s10 =	sadd.s32 $0xE200, s10;
	[dreg:$0xa] =	wrdreg s15  }
0xd: {  	s12 =	sadd.s32 s8, s12;
	s11 =	sadd.s32 $0x1A00, s11;
	[dreg:$0x5] =	wrdreg s10  }
0xe: {  	s13 =	sadd.s32 s7, s5;
	s6 =	sadd.s32 s6, s7;
	[dreg:$0x6] =	wrdreg s11  }
0xf: {  	s12 =	sshrl.u32 s12, $0x3;
	[dreg:$0x7] =	wrdreg s6;
	s13 =	sadd.s32 $0x4200, s13  }
0x10: {  	s16 =	sadd.s32 s8, s2;
	s5 =	sadd.s32 s12, s5;
	[dreg:$0x8] =	wrdreg s13  }
0x11: {  	s7 =	sshrl.u32 s16, $0x3;
	s5 =	sadd.s32 $0x10A00, s5;
	s19 =	rddreg [dreg:$0x5]  }
0x12: {  	s6 =	simm.s32 $0x3;
	[dreg:$0x9] =	wrdreg s5;
	s5 =	sor.u32 $0x1C03, s17  }
0x13: {  	[spmem:s7], [sflag:s5] =	dma.local [hbm:s19], $0x280  }
0x14: {  	_ =	swait.ge [sflag:s6], $0x280  }
0x15: {  	s21 =	rddreg [dreg:$0x6];
	[sflag:s6] =	ssyncset.done $0x0  }
0x16: {  	s22 =	rddreg [dreg:$0xa];
	[sflag:s6] =	ssyncadd.s32 $0xFFFFFD80  }
0x17: {  	[spmem:s22], [sflag:s5] =	dma.local [hbm:s21], $0x271  }
0x18: {  	_ =	swait.ge [sflag:s6], $0x271  }
0x19: {  	[sflag:s6] =	ssyncset.done $0x0  }
0x1a: {  	s23 =	rddreg [dreg:$0x7];
	[sflag:s6] =	ssyncadd.s32 $0xFFFFFD8F  }
0x1b: {  	[tilespmem:s4], [sflag:$0x3] =	stream.linear.gather [hbm4b:s23+s4], $0x2800, $0x38;
	[tilespmem:$0x1B788] =	vst v63  }
0x1c: {  	_ =	swait.ge [sflag:s6], $0x2800  }
0x1d: {  	[sflag:s6] =	ssyncset.done $0x0  }
0x1e: {  	s8 =	simm.s32 $0x2800;
	s24 =	rddreg [dreg:$0x8];
	[sflag:s6] =	ssyncadd.s32 $0xFFFFD800  }
0x1f: {  	[tilespmem:s8], [sflag:$0x3] =	stream.linear.gather [hbm4b:s24+s4], $0x2800, $0x38;
	[tilespmem:$0x1B788] =	vst v63  }
0x20: {  	_ =	swait.ge [sflag:s6], $0x2800  }
0x21: {  	[sflag:s6] =	ssyncset.done $0x0  }
0x22: {  	[sflag:s6] =	ssyncadd.s32 $0xFFFFD800  }
0x23: {  	s9 =	simm.s32 $0x500;
	s10 =	simm.s32 $0x5000;
	[bflag:$0x0] =	sbarrier.arrive $0xFFFF  }
0x24: {  	[tilespmem:s10], [sflag:$0x1] =	stream.indirect.gather [spmem:s3], $0x8, s4, s9, $0xb8;
	[tilespmem:$0x1B788] =	vst v63  }
0x25: {  	s11 =	simm.s32 $0x7800  }
0x26: {  	[tilespmem:s11], [sflag:$0x1] =	stream.indirect.gather [spmem:s3], $0x8, s9, s9, $0xb8;
	[tilespmem:$0x1B788] =	vst v63  }
0x27: {  	s12 =	simm.s32 $0xA000;
	s25 =	rddreg [dreg:$0xb]  }
0x28: {  	[tilespmem:s12], [sflag:$0x1] =	stream.indirect.gather [spmem:s3], $0x8, s25, s9, $0xb8;
	[tilespmem:$0x1B788] =	vst v63  }
0x29: {  	s14 =	simm.s32 $0x1;
	s13 =	simm.s32 $0xC800;
	s15 =	rddreg [dreg:$0xc]  }
0x2a: {  	[tilespmem:s13], [sflag:$0x1] =	stream.indirect.gather [spmem:s3], $0x8, s15, s9, $0xb8;
	[tilespmem:$0x1B788] =	vst v63  }
0x2b: {  	_ =	swait.ge [sflag:s14], $0x2800  }
0x2c: {  	[sflag:s14] =	ssyncset.done $0x0  }
0x2d: {  	[sflag:s14] =	ssyncadd.s32 $0xFFFFD800  }
0x2e: {  	_ =	swait.ge [sflag:s14], $0x2800  }
0x2f: {  	[sflag:s14] =	ssyncset.done $0x0  }
0x30: {  	[sflag:s14] =	ssyncadd.s32 $0xFFFFD800  }
0x31: {  	_ =	swait.ge [sflag:s14], $0x2800  }
0x32: {  	[sflag:s14] =	ssyncset.done $0x0  }
0x33: {  	[sflag:s14] =	ssyncadd.s32 $0xFFFFD800  }
0x34: {  	_ =	swait.ge [sflag:s14], $0x2800  }
0x35: {  	[sflag:s14] =	ssyncset.done $0x0  }
0x36: {  	s26 =	simm.s32 $0x1400;
	s16 =	simm.s32 $0xF000;
	[sflag:s14] =	ssyncadd.s32 $0xFFFFD800  }
0x37: {  	[tilespmem:s16], [sflag:$0x1] =	stream.indirect.gather [spmem:s3], $0x8, s26, s9, $0xb8;
	[tilespmem:$0x1B788] =	vst v63  }
0x38: {  	s18 =	simm.s32 $0x11800;
	s17 =	simm.s32 $0x1900  }
0x39: {  	[tilespmem:s18], [sflag:$0x1] =	stream.indirect.gather [spmem:s3], $0x8, s17, s9, $0xb8;
	[tilespmem:$0x1B788] =	vst v63  }
0x3a: {  	s20 =	simm.s32 $0x14000;
	s19 =	simm.s32 $0x1E00  }
0x3b: {  	[tilespmem:s20], [sflag:$0x1] =	stream.indirect.gather [spmem:s3], $0x8, s19, s9, $0xb8;
	[tilespmem:$0x1B788] =	vst v63  }
0x3c: {  	s21 =	simm.s32 $0x2300;
	s22 =	simm.s32 $0x16800  }
0x3d: {  	[tilespmem:s22], [sflag:$0x1] =	stream.indirect.gather [spmem:s3], $0x8, s21, s9, $0xb8;
	[tilespmem:$0x1B788] =	vst v63  }
0x3e: {  	_ = 	snop  }
0x3f: {  	[spmem:s2] =	stream.indirect.scatter.add.f32 [tilespmem:s10], [sflag:$0x2], $0x8, s8, s9, $0xb8;
	[tilespmem:$0x1B788] =	vst v63  }
0x40: {  	s23 =	simm.s32 $0x2D00  }
0x41: {  	[spmem:s2] =	stream.indirect.scatter.add.f32 [tilespmem:s11], [sflag:$0x2], $0x8, s23, s9, $0xb8;
	[tilespmem:$0x1B788] =	vst v63  }
0x42: {  	s24 =	simm.s32 $0x3200  }
0x43: {  	[spmem:s2] =	stream.indirect.scatter.add.f32 [tilespmem:s12], [sflag:$0x2], $0x8, s24, s9, $0xb8;
	[tilespmem:$0x1B788] =	vst v63  }
0x44: {  	s25 =	simm.s32 $0x3700  }
0x45: {  	[spmem:s2] =	stream.indirect.scatter.add.f32 [tilespmem:s13], [sflag:$0x2], $0x8, s25, s9, $0xb8;
	[tilespmem:$0x1B788] =	vst v63  }
0x46: {  	_ =	swait.ge [sflag:s14], $0x2800  }
0x47: {  	[sflag:s14] =	ssyncset.done $0x0  }
0x48: {  	[sflag:s14] =	ssyncadd.s32 $0xFFFFD800  }
0x49: {  	_ =	swait.ge [sflag:s14], $0x2800  }
0x4a: {  	[sflag:s14] =	ssyncset.done $0x0  }
0x4b: {  	[sflag:s14] =	ssyncadd.s32 $0xFFFFD800  }
0x4c: {  	_ =	swait.ge [sflag:s14], $0x2800  }
0x4d: {  	[sflag:s14] =	ssyncset.done $0x0  }
0x4e: {  	[sflag:s14] =	ssyncadd.s32 $0xFFFFD800  }
0x4f: {  	_ =	swait.ge [sflag:s14], $0x2800  }
0x50: {  	[sflag:s14] =	ssyncset.done $0x0  }
0x51: {  	s26 =	simm.s32 $0x3C00;
	[sflag:s14] =	ssyncadd.s32 $0xFFFFD800  }
0x52: {  	[spmem:s2] =	stream.indirect.scatter.add.f32 [tilespmem:s16], [sflag:$0x2], $0x8, s26, s9, $0xb8;
	[tilespmem:$0x1B788] =	vst v63  }
0x53: {  	s28 =	simm.s32 $0x4100  }
0x54: {  	[spmem:s2] =	stream.indirect.scatter.add.f32 [tilespmem:s18], [sflag:$0x2], $0x8, s28, s9, $0xb8;
	[tilespmem:$0x1B788] =	vst v63  }
0x55: {  	s29 =	simm.s32 $0x4600  }
0x56: {  	[spmem:s2] =	stream.indirect.scatter.add.f32 [tilespmem:s20], [sflag:$0x2], $0x8, s29, s9, $0xb8;
	[tilespmem:$0x1B788] =	vst v63  }
0x57: {  	s30 =	simm.s32 $0x4B00;
	s31 =	simm.s32 $0x2  }
0x58: {  	[spmem:s2] =	stream.indirect.scatter.add.f32 [tilespmem:s22], [sflag:$0x2], $0x8, s30, s9, $0xb8;
	[tilespmem:$0x1B788] =	vst v63  }
0x59: {  	_ =	swait.ge [sflag:s31], $0x2800  }
0x5a: {  	[sflag:s31] =	ssyncset.done $0x0  }
0x5b: {  	[sflag:s31] =	ssyncadd.s32 $0xFFFFD800  }
0x5c: {  	_ =	swait.ge [sflag:s31], $0x2800  }
0x5d: {  	[sflag:s31] =	ssyncset.done $0x0  }
0x5e: {  	[sflag:s31] =	ssyncadd.s32 $0xFFFFD800  }
0x5f: {  	_ =	swait.ge [sflag:s31], $0x2800  }
0x60: {  	[sflag:s31] =	ssyncset.done $0x0  }
0x61: {  	[sflag:s31] =	ssyncadd.s32 $0xFFFFD800  }
0x62: {  	_ =	swait.ge [sflag:s31], $0x2800  }
0x63: {  	[sflag:s31] =	ssyncset.done $0x0  }
0x64: {  	[sflag:s31] =	ssyncadd.s32 $0xFFFFD800  }
0x65: {  	_ =	swait.ge [sflag:s31], $0x2800  }
0x66: {  	[sflag:s31] =	ssyncset.done $0x0  }
0x67: {  	[sflag:s31] =	ssyncadd.s32 $0xFFFFD800  }
0x68: {  	_ =	swait.ge [sflag:s31], $0x2800  }
0x69: {  	[sflag:s31] =	ssyncset.done $0x0  }
0x6a: {  	s0 =	ssub.s32 $0x2, s0;
	[sflag:s31] =	ssyncadd.s32 $0xFFFFD800  }
0x6b: {  	s1 =	sshrl.u32 s0, $0x1;
	_ =	swait.ge [sflag:s31], $0x2800  }
0x6c: {  	s0 =	ssub.s32 s0, s1;
	[sflag:s31] =	ssyncset.done $0x0  }
0x6d: {  	s0 =	smax.u32 s0, $0x1;
	[sflag:s31] =	ssyncadd.s32 $0xFFFFD800  }
0x6e: {  	p0 =	sne.s32 s0, $0x1;
	_ =	swait.ge [sflag:s31], $0x2800  }
.Ltmp0:
0x6f: {  	[sflag:s31] =	ssyncset.done $0x0;
	(pc) =	sbr.rel @!p0 .LBB2_2-.Ltmp0, $4  }
0x70: {  	[sflag:s31] =	ssyncadd.s32 $0xFFFFD800  }
0x71: {  	[bflag:$0x0] =	sbarrier.arrive $0xFFFF  }
0x72: {  	s0 =	sadd.s32 $0xFFFFFFFF, s0;
	s15 =	rddreg [dreg:$0x9]  }
0x73: {  	[hbm:s15], [sflag:s5] =	dma.local [spmem:s7], $0x280  }
.LBB2_1:
0x74: {  	_ =	swait.ge [sflag:s6], $0x280  }
0x75: {  	[sflag:s6] =	ssyncset.done $0x0  }
0x76: {  	s1 =	rddreg [dreg:$0x5];
	[sflag:s6] =	ssyncadd.s32 $0xFFFFFD80  }
0x77: {  	[spmem:s7], [sflag:s5] =	dma.local [hbm:s1], $0x280  }
0x78: {  	_ =	swait.ge [sflag:s6], $0x280  }
0x79: {  	[sflag:s6] =	ssyncset.done $0x0;
	s1 =	rddreg [dreg:$0x6]  }
0x7a: {  	s15 =	rddreg [dreg:$0xa];
	[sflag:s6] =	ssyncadd.s32 $0xFFFFFD80  }
0x7b: {  	[spmem:s15], [sflag:s5] =	dma.local [hbm:s1], $0x271  }
0x7c: {  	_ =	swait.ge [sflag:s6], $0x271  }
0x7d: {  	[sflag:s6] =	ssyncset.done $0x0  }
0x7e: {  	s15 =	rddreg [dreg:$0x7];
	[sflag:s6] =	ssyncadd.s32 $0xFFFFFD8F  }
0x7f: {  	[tilespmem:s4], [sflag:$0x3] =	stream.linear.gather [hbm4b:s15+s4], $0x2800, $0x38;
	[tilespmem:$0x1B788] =	vst v63  }
0x80: {  	_ =	swait.ge [sflag:s6], $0x2800  }
0x81: {  	[sflag:s6] =	ssyncset.done $0x0  }
0x82: {  	s15 =	rddreg [dreg:$0x8];
	[sflag:s6] =	ssyncadd.s32 $0xFFFFD800  }
0x83: {  	[tilespmem:s8], [sflag:$0x3] =	stream.linear.gather [hbm4b:s15+s4], $0x2800, $0x38;
	[tilespmem:$0x1B788] =	vst v63  }
0x84: {  	_ =	swait.ge [sflag:s6], $0x2800  }
0x85: {  	[sflag:s6] =	ssyncset.done $0x0  }
0x86: {  	[sflag:s6] =	ssyncadd.s32 $0xFFFFD800  }
0x87: {  	[bflag:$0x0] =	sbarrier.arrive $0xFFFF  }
0x88: {  	[tilespmem:s10], [sflag:$0x1] =	stream.indirect.gather [spmem:s3], $0x8, s4, s9, $0xb8;
	[tilespmem:$0x1B788] =	vst v63  }
0x89: {  	_ = 	snop  }
0x8a: {  	[tilespmem:s11], [sflag:$0x1] =	stream.indirect.gather [spmem:s3], $0x8, s9, s9, $0xb8;
	[tilespmem:$0x1B788] =	vst v63  }
0x8b: {  	s1 =	rddreg [dreg:$0xb]  }
0x8c: {  	[tilespmem:s12], [sflag:$0x1] =	stream.indirect.gather [spmem:s3], $0x8, s1, s9, $0xb8;
	[tilespmem:$0x1B788] =	vst v63  }
0x8d: {  	s15 =	rddreg [dreg:$0xc]  }
0x8e: {  	[tilespmem:s13], [sflag:$0x1] =	stream.indirect.gather [spmem:s3], $0x8, s15, s9, $0xb8;
	[tilespmem:$0x1B788] =	vst v63  }
0x8f: {  	_ =	swait.ge [sflag:s14], $0x2800  }
0x90: {  	[sflag:s14] =	ssyncset.done $0x0  }
0x91: {  	[sflag:s14] =	ssyncadd.s32 $0xFFFFD800  }
0x92: {  	_ =	swait.ge [sflag:s14], $0x2800  }
0x93: {  	[sflag:s14] =	ssyncset.done $0x0  }
0x94: {  	[sflag:s14] =	ssyncadd.s32 $0xFFFFD800  }
0x95: {  	_ =	swait.ge [sflag:s14], $0x2800  }
0x96: {  	[sflag:s14] =	ssyncset.done $0x0  }
0x97: {  	[sflag:s14] =	ssyncadd.s32 $0xFFFFD800  }
0x98: {  	_ =	swait.ge [sflag:s14], $0x2800  }
0x99: {  	[sflag:s14] =	ssyncset.done $0x0  }
0x9a: {  	s15 =	simm.s32 $0x1400;
	[sflag:s14] =	ssyncadd.s32 $0xFFFFD800  }
0x9b: {  	[tilespmem:s16], [sflag:$0x1] =	stream.indirect.gather [spmem:s3], $0x8, s15, s9, $0xb8;
	[tilespmem:$0x1B788] =	vst v63  }
0x9c: {  	_ = 	snop  }
0x9d: {  	[tilespmem:s18], [sflag:$0x1] =	stream.indirect.gather [spmem:s3], $0x8, s17, s9, $0xb8;
	[tilespmem:$0x1B788] =	vst v63  }
0x9e: {  	_ = 	snop  }
0x9f: {  	[tilespmem:s20], [sflag:$0x1] =	stream.indirect.gather [spmem:s3], $0x8, s19, s9, $0xb8;
	[tilespmem:$0x1B788] =	vst v63  }
0xa0: {  	_ = 	snop  }
0xa1: {  	[tilespmem:s22], [sflag:$0x1] =	stream.indirect.gather [spmem:s3], $0x8, s21, s9, $0xb8;
	[tilespmem:$0x1B788] =	vst v63  }
0xa2: {  	_ = 	snop  }
0xa3: {  	[spmem:s2] =	stream.indirect.scatter.add.f32 [tilespmem:s10], [sflag:$0x2], $0x8, s8, s9, $0xb8;
	[tilespmem:$0x1B788] =	vst v63  }
0xa4: {  	_ = 	snop  }
0xa5: {  	[spmem:s2] =	stream.indirect.scatter.add.f32 [tilespmem:s11], [sflag:$0x2], $0x8, s23, s9, $0xb8;
	[tilespmem:$0x1B788] =	vst v63  }
0xa6: {  	_ = 	snop  }
0xa7: {  	[spmem:s2] =	stream.indirect.scatter.add.f32 [tilespmem:s12], [sflag:$0x2], $0x8, s24, s9, $0xb8;
	[tilespmem:$0x1B788] =	vst v63  }
0xa8: {  	_ = 	snop  }
0xa9: {  	[spmem:s2] =	stream.indirect.scatter.add.f32 [tilespmem:s13], [sflag:$0x2], $0x8, s25, s9, $0xb8;
	[tilespmem:$0x1B788] =	vst v63  }
0xaa: {  	_ =	swait.ge [sflag:s14], $0x2800  }
0xab: {  	[sflag:s14] =	ssyncset.done $0x0  }
0xac: {  	[sflag:s14] =	ssyncadd.s32 $0xFFFFD800  }
0xad: {  	_ =	swait.ge [sflag:s14], $0x2800  }
0xae: {  	[sflag:s14] =	ssyncset.done $0x0  }
0xaf: {  	[sflag:s14] =	ssyncadd.s32 $0xFFFFD800  }
0xb0: {  	_ =	swait.ge [sflag:s14], $0x2800  }
0xb1: {  	[sflag:s14] =	ssyncset.done $0x0  }
0xb2: {  	[sflag:s14] =	ssyncadd.s32 $0xFFFFD800  }
0xb3: {  	_ =	swait.ge [sflag:s14], $0x2800  }
0xb4: {  	[sflag:s14] =	ssyncset.done $0x0  }
0xb5: {  	[sflag:s14] =	ssyncadd.s32 $0xFFFFD800  }
0xb6: {  	[spmem:s2] =	stream.indirect.scatter.add.f32 [tilespmem:s16], [sflag:$0x2], $0x8, s26, s9, $0xb8;
	[tilespmem:$0x1B788] =	vst v63  }
0xb7: {  	_ = 	snop  }
0xb8: {  	[spmem:s2] =	stream.indirect.scatter.add.f32 [tilespmem:s18], [sflag:$0x2], $0x8, s28, s9, $0xb8;
	[tilespmem:$0x1B788] =	vst v63  }
0xb9: {  	_ = 	snop  }
0xba: {  	[spmem:s2] =	stream.indirect.scatter.add.f32 [tilespmem:s20], [sflag:$0x2], $0x8, s29, s9, $0xb8;
	[tilespmem:$0x1B788] =	vst v63  }
0xbb: {  	_ = 	snop  }
0xbc: {  	[spmem:s2] =	stream.indirect.scatter.add.f32 [tilespmem:s22], [sflag:$0x2], $0x8, s30, s9, $0xb8;
	[tilespmem:$0x1B788] =	vst v63  }
0xbd: {  	_ =	swait.ge [sflag:s31], $0x2800  }
0xbe: {  	[sflag:s31] =	ssyncset.done $0x0  }
0xbf: {  	[sflag:s31] =	ssyncadd.s32 $0xFFFFD800  }
0xc0: {  	_ =	swait.ge [sflag:s31], $0x2800  }
0xc1: {  	[sflag:s31] =	ssyncset.done $0x0  }
0xc2: {  	[sflag:s31] =	ssyncadd.s32 $0xFFFFD800  }
0xc3: {  	_ =	swait.ge [sflag:s31], $0x2800  }
0xc4: {  	[sflag:s31] =	ssyncset.done $0x0  }
0xc5: {  	[sflag:s31] =	ssyncadd.s32 $0xFFFFD800  }
0xc6: {  	_ =	swait.ge [sflag:s31], $0x2800  }
0xc7: {  	[sflag:s31] =	ssyncset.done $0x0  }
0xc8: {  	[sflag:s31] =	ssyncadd.s32 $0xFFFFD800  }
0xc9: {  	_ =	swait.ge [sflag:s31], $0x2800  }
0xca: {  	[sflag:s31] =	ssyncset.done $0x0  }
0xcb: {  	[sflag:s31] =	ssyncadd.s32 $0xFFFFD800  }
0xcc: {  	_ =	swait.ge [sflag:s31], $0x2800  }
0xcd: {  	[sflag:s31] =	ssyncset.done $0x0  }
0xce: {  	[sflag:s31] =	ssyncadd.s32 $0xFFFFD800  }
0xcf: {  	_ =	swait.ge [sflag:s31], $0x2800  }
0xd0: {  	[sflag:s31] =	ssyncset.done $0x0  }
0xd1: {  	[sflag:s31] =	ssyncadd.s32 $0xFFFFD800  }
0xd2: {  	p0 =	sne.s32 s0, $0x1;
	_ =	swait.ge [sflag:s31], $0x2800  }
.Ltmp1:
0xd3: {  	[sflag:s31] =	ssyncset.done $0x0;
	(pc) =	sbr.rel @p0 .LBB2_1-.Ltmp1, $4  }
0xd4: {  	[sflag:s31] =	ssyncadd.s32 $0xFFFFD800  }
0xd5: {  	[bflag:$0x0] =	sbarrier.arrive $0xFFFF  }
0xd6: {  	s0 =	sadd.s32 $0xFFFFFFFF, s0;
	s15 =	rddreg [dreg:$0x9]  }
0xd7: {  	[hbm:s15], [sflag:s5] =	dma.local [spmem:s7], $0x280  }
.LBB2_2:
0xd8: {  	_ =	swait.ge [sflag:s6], $0x280  }
0xd9: {  	[sflag:s6] =	ssyncset.done $0x0  }
0xda: {  	[sflag:s6] =	ssyncadd.s32 $0xFFFFFD80  }
0xdb: {  	_ =	sfence.sel $0x180000  }
0xdc: {  	[bflag:$0x0] =	sbarrier.arrive $0xFFFF  }
0xdd: {  	_ =	strace $0x90000047  }
0xde: {  	s0 =	stileid.u32;
	[bflag:$0x2] =	sbarrier.arrive $0xFFFF  }
0xdf: {  	p0 =	sne.s32 s0, $0x0;
	s0 =	rddreg [dreg:$0x4]  }
0xe0: {  	s0 =	sadd.s32 @!p0 $0x100000, s0  }
0xe1: {  	[sflag:s0] =	ssyncadd.tile.s32 @!p0 $0x1;
	_ =	shalt  }
.Lfunc_end2:
_tile_overlayer_lowered:
.L_overlay_start_2:
0xe2: {  	(tag) =	ssettag $0x2  }
0xe3: {  	s0 =	rddreg [dreg:$0x0];
	s2 =	stileid.u32  }
0xe4: {  	s1 =	rddreg [dreg:$0x1];
	p0 =	sne.s32 s2, $0x0  }
0xe5: {  	s3 =	rddreg [dreg:$0x2];
	[bflag:$0x3] =	sbarrier.arrive $0xFFFF;
	s2 =	simm.s32 @!p0 $0x1C03  }
0xe6: {  	[timem:s3], [sflag:s2] =	dma.local @!p0 [hbm:s0], s1  }
0xe7: {  	s0 =	simm.s32 @!p0 $0x3  }
0xe8: {  	_ =	swait.ge @!p0 [sflag:s0], s1  }
0xe9: {  	s1 =	ssub.s32 @!p0 $0x0, s1;
	[sflag:s0] =	ssyncset.done @!p0 $0x0  }
0xea: {  	[sflag:s0] =	ssyncadd.s32 @!p0 s1  }
0xeb: {  	[bflag:$0x3] =	sbarrier.arrive $0xFFFF  }
0xec: {  	_ =	shalt  }

</sc_bundles>
